<compile_context>
chip_gen: v7x
topology: tpu7x:2x2x1
jax: 0.10.2.dev20260603
libtpu: 0.0.44.dev20260713+nightly
codegen_flags: <defaults>
</compile_context>

<pallas_src>
import jax
import jax.numpy as jnp
from jax import lax
from jax.experimental import pallas as pl
from jax.experimental.pallas import tpu as pltpu
from jax.experimental.pallas import tpu_sc as plsc

N = 10000
D = 128
E = 320000
LANES = 16

NC = 2
NS = 16
NW = NC * NS
EW = E // NW
C = 80
NCH = EW // C
RBIG = 640
RLAST = N - (NS - 1) * RBIG
DBIG = 632
DLAST = N - (NS - 1) * DBIG


def _make_sc_agg(compute_deg):
    mesh = plsc.VectorSubcoreMesh(
        core_axis_name="c", subcore_axis_name="s",
        num_cores=NC, num_subcores=NS)

    out_type = [jax.ShapeDtypeStruct((NC * N, D), jnp.float32)]
    scratch = [
        pltpu.VMEM_SHARED((N, D), jnp.float32),
        pltpu.VMEM((C, D), jnp.float32),
        pltpu.VMEM((C,), jnp.int32),
        pltpu.VMEM((C,), jnp.int32),
        pltpu.SemaphoreType.DMA,
    ]
    if compute_deg:
        out_type.append(jax.ShapeDtypeStruct((NC * N, LANES), jnp.float32))
        scratch += [
            pltpu.VMEM_SHARED((N, LANES), jnp.float32),
            pltpu.VMEM((C, LANES), jnp.float32),
            pltpu.VMEM((DBIG, LANES), jnp.float32),
        ]

    def body(h_hbm, src_hbm, dst_hbm, part_hbm, *rest):
        if compute_deg:
            (deg_hbm, acc_sh, rows_v, srcb, dstb, sem,
             deg_sh, ones16, z16) = rest
        else:
            acc_sh, rows_v, srcb, dstb, sem = rest
        cid = lax.axis_index("c")
        sid = lax.axis_index("s")

        zero = jnp.zeros((LANES,), jnp.float32)

        def zrow(i, carry):
            rows_v[i // (D // LANES), pl.ds((i % (D // LANES)) * LANES, LANES)] = zero
            return carry
        lax.fori_loop(0, C * (D // LANES), zrow, 0)

        rbase = sid * RBIG
        nz = jnp.where(sid < NS - 1, RBIG // C, RLAST // C)
        def zacc(i, carry):
            pltpu.sync_copy(rows_v, acc_sh.at[pl.ds(rbase + i * C, C)])
            return carry
        lax.fori_loop(0, nz, zacc, 0)

        if compute_deg:
            one = jnp.ones((LANES,), jnp.float32)
            def fill16(i, carry):
                ones16[i, :] = one
                return carry
            lax.fori_loop(0, C, fill16, 0)
            def z16f(i, carry):
                z16[i, :] = zero
                return carry
            lax.fori_loop(0, DBIG, z16f, 0)

            @pl.when(sid < NS - 1)
            def _zdeg_big():
                pltpu.sync_copy(z16, deg_sh.at[pl.ds(sid * DBIG, DBIG)])

            @pl.when(sid == NS - 1)
            def _zdeg_last():
                pltpu.sync_copy(z16.at[pl.ds(0, DLAST)],
                                deg_sh.at[pl.ds((NS - 1) * DBIG, DLAST)])

        plsc.subcore_barrier()

        ebase = (cid * NS + sid) * EW
        def step(i, carry):
            eo = ebase + i * C
            pltpu.sync_copy(src_hbm.at[pl.ds(eo, C)], srcb)
            pltpu.sync_copy(dst_hbm.at[pl.ds(eo, C)], dstb)
            pltpu.async_copy(h_hbm.at[srcb], rows_v, sem).wait()
            pltpu.sync_copy(rows_v, acc_sh.at[dstb], add=True)
            if compute_deg:
                pltpu.sync_copy(ones16, deg_sh.at[dstb], add=True)
            return carry
        lax.fori_loop(0, NCH, step, 0)

        plsc.subcore_barrier()

        obase = cid * N

        @pl.when(sid < NS - 1)
        def _copy_big():
            pltpu.sync_copy(acc_sh.at[pl.ds(sid * RBIG, RBIG)],
                            part_hbm.at[pl.ds(obase + sid * RBIG, RBIG)])

        @pl.when(sid == NS - 1)
        def _copy_last():
            pltpu.sync_copy(acc_sh.at[pl.ds((NS - 1) * RBIG, RLAST)],
                            part_hbm.at[pl.ds(obase + (NS - 1) * RBIG, RLAST)])

        if compute_deg:
            @pl.when(sid < NS - 1)
            def _cdeg_big():
                pltpu.sync_copy(deg_sh.at[pl.ds(sid * DBIG, DBIG)],
                                deg_hbm.at[pl.ds(obase + sid * DBIG, DBIG)])

            @pl.when(sid == NS - 1)
            def _cdeg_last():
                pltpu.sync_copy(deg_sh.at[pl.ds((NS - 1) * DBIG, DLAST)],
                                deg_hbm.at[pl.ds(obase + (NS - 1) * DBIG, DLAST)])

    ot = tuple(out_type) if compute_deg else out_type[0]
    return pl.kernel(body, out_type=ot, mesh=mesh,
                     scratch_types=tuple(scratch),
                     compiler_params=pltpu.CompilerParams(
                         use_tc_tiling_on_sc=False))


_sc_agg_deg = _make_sc_agg(True)
_sc_agg = _make_sc_agg(False)


def _tc_layer(h, part, deg, Ws, Wn, bvec):
    def body(h_ref, p_ref, d_ref, ws_ref, wn_ref, b_ref, o_ref):
        p = p_ref[0:N, :] + p_ref[N:2 * N, :]
        dsum = d_ref[0:N, :] + d_ref[N:2 * N, :]
        rdeg = 1.0 / jnp.maximum(dsum[:, 0:1], 1.0)
        agg = p * rdeg
        z = jnp.dot(h_ref[...], ws_ref[...], preferred_element_type=jnp.float32)
        z = z + jnp.dot(agg, wn_ref[...], preferred_element_type=jnp.float32)
        z = z + b_ref[...][None, :]
        nrm = jnp.sqrt(jnp.sum(z * z, axis=1, keepdims=True))
        z = z / jnp.maximum(nrm, 1e-12)
        o_ref[...] = jnp.maximum(z, 0.0)

    return pl.pallas_call(
        body,
        out_shape=jax.ShapeDtypeStruct((N, D), jnp.float32),
    )(h, part, deg, Ws, Wn, bvec)


def kernel(edge_index, inputs, W_self, W_neigh, b):
    src = edge_index[0].astype(jnp.int32)
    dst = edge_index[1].astype(jnp.int32)
    part, deg = _sc_agg_deg(inputs, src, dst)
    h = _tc_layer(inputs, part, deg, W_self[0], W_neigh[0], b[0])
    for l in range(1, 3):
        part = _sc_agg(h, src, dst)
        h = _tc_layer(h, part, deg, W_self[l], W_neigh[l], b[l])
    return h

# --- scband reference (transcript-rebuilt; emitter-appended) ---
"""Pipeline reference for scband-encoder-6579889898223 (READ-ONLY COPY).

The authoritative reference and input builder live on the scoring server;
editing this copy changes nothing except your own understanding.
"""

import jax, jax.numpy as jnp
import numpy as np

N = 10000
E = 320000
D = 128
L = 3


def setup_inputs(seed: int = 0) -> dict:
    key = jax.random.key(seed)
    k1, k2, k3, k4 = jax.random.split(key, 4)
    edge_index = jax.random.randint(k1, (2, E), 0, N)
    inputs = jax.random.normal(k2, (N, D), dtype=jnp.float32)
    scale = 1.0 / np.sqrt(D)
    W_self = jax.random.normal(k3, (L, D, D), dtype=jnp.float32) * scale
    W_neigh = jax.random.normal(k4, (L, D, D), dtype=jnp.float32) * scale
    b = jnp.zeros((L, D), dtype=jnp.float32)
    return {"edge_index": edge_index, "inputs": inputs, "W_self": W_self, "W_neigh": W_neigh, "b": b}


def _l2_normalize(h, eps=1e-12):
    # Faithful to torch.nn.functional.normalize(h, p=2, dim=1)
    n = jnp.linalg.norm(h, ord=2, axis=1, keepdims=True)
    return h / jnp.maximum(n, eps)


def reference(edge_index, inputs, W_self, W_neigh, b):
    # GraphSAGE (mean aggregator) encoder, 3 layers.
    # h' = h @ W_self + mean_{j in N(i)} h_j @ W_neigh + b
    # followed by relu(F.normalize(h')); dropout p=0 -> identity.
    src = edge_index[0]
    dst = edge_index[1]
    deg = jax.ops.segment_sum(jnp.ones((E,), dtype=inputs.dtype), dst, num_segments=N)
    deg = jnp.maximum(deg, 1.0)[:, None]
    h = inputs
    for l in range(L):
        msg = jnp.take(h, src, axis=0)  # gather source node features per edge
        agg = jax.ops.segment_sum(msg, dst, num_segments=N) / deg  # scatter-add mean
        h = h @ W_self[l] + agg @ W_neigh[l] + b[l]
        h = jax.nn.relu(_l2_normalize(h))
    return h

if __name__ == "__main__":
    import jax
    _d = setup_inputs()
    print(jax.jit(kernel)(*tuple(_d.values())))

</pallas_src>

<mosaic_0001>
#map = affine_map<(d0, d1) -> (0, 0)>
#map1 = affine_map<(d0, d1) -> (0)>
module attributes {stable_mosaic.version = 14 : i64} {
  func.func @body(%arg0: i32, %arg1: i32, %arg2: memref<10000x128xf32, #tpu.memory_space<hbm>>, %arg3: memref<320000xi32, #tpu.memory_space<hbm>>, %arg4: memref<320000xi32, #tpu.memory_space<hbm>>, %arg5: memref<20000x128xf32, #tpu.memory_space<hbm>>, %arg6: memref<20000x16xf32, #tpu.memory_space<hbm>>, %arg7: memref<10000x128xf32, #tpu.memory_space<vmem_shared>>, %arg8: memref<80x128xf32, #tpu.memory_space<vmem>>, %arg9: memref<80xi32, #tpu.memory_space<vmem>>, %arg10: memref<80xi32, #tpu.memory_space<vmem>>, %arg11: memref<!tpu.dma_semaphore, #tpu.memory_space<semaphore_mem>>, %arg12: memref<10000x16xf32, #tpu.memory_space<vmem_shared>>, %arg13: memref<80x16xf32, #tpu.memory_space<vmem>>, %arg14: memref<632x16xf32, #tpu.memory_space<vmem>>) attributes {dimension_semantics = [#tpu.dimension_semantics<core_parallel>, #tpu.dimension_semantics<subcore_parallel>], iteration_bounds = array<i64: 2, 16>, scalar_prefetch = 0 : i64, scratch_operands = 8 : i64, tpu.core_type = #tpu.core_type<sc_vector_subcore>, window_params = [{transform_indices = #map}, {transform_indices = #map1}, {transform_indices = #map1}, {transform_indices = #map}, {transform_indices = #map}]} {
    %broadcast_in_dim3A = arith.constant 0.000000e+00 : f32
    %broadcast_in_dim3A_0 = vector.broadcast %broadcast_in_dim3A : f32 to vector<16xf32>
    %scan3A = arith.constant 0 : i32
    %scan3A_1 = arith.constant 0 : i32
    %scan3A_2 = arith.constant 640 : i32
    %scan3A_3 = arith.addi %scan3A_1, %scan3A_2 : i32
    %scan3A_4 = arith.constant 1 : i32
    scf.for %scan3A_72 = %scan3A_1 to %scan3A_3 step %scan3A_4  : i32 {
      %jit3A_73 = arith.constant 8 : i32
      %div3A = arith.divsi %scan3A_72, %jit3A_73 : i32
      %sign3A = arith.constant 0 : i32
      %sign3A_74 = arith.cmpi sgt, %scan3A_72, %sign3A : i32
      %sign3A_75 = arith.extui %sign3A_74 : i1 to i32
      %sign3A_76 = arith.constant 0 : i32
      %sign3A_77 = arith.cmpi slt, %scan3A_72, %sign3A_76 : i32
      %sign3A_78 = arith.extui %sign3A_77 : i1 to i32
      %sign3A_79 = arith.subi %sign3A_75, %sign3A_78 : i32
      %sign3A_80 = arith.constant 0 : i32
      %sign3A_81 = arith.cmpi sgt, %jit3A_73, %sign3A_80 : i32
      %sign3A_82 = arith.extui %sign3A_81 : i1 to i32
      %sign3A_83 = arith.constant 0 : i32
      %sign3A_84 = arith.cmpi slt, %jit3A_73, %sign3A_83 : i32
      %sign3A_85 = arith.extui %sign3A_84 : i1 to i32
      %sign3A_86 = arith.subi %sign3A_82, %sign3A_85 : i32
      %ne3A = arith.cmpi ne, %sign3A_79, %sign3A_86 : i32
      %rem3A = arith.remsi %scan3A_72, %jit3A_73 : i32
      %ne3A_87 = arith.constant 0 : i32
      %ne3A_88 = arith.cmpi ne, %rem3A, %ne3A_87 : i32
      %and3A = arith.andi %ne3A, %ne3A_88 : i1
      %sub3A = arith.constant 1 : i32
      %sub3A_89 = arith.subi %div3A, %sub3A : i32
      %select_n3A_90 = arith.select %and3A, %sub3A_89, %div3A : i32
      %jit3A_91 = arith.constant 8 : i32
      %eq3A_92 = arith.constant 0 : i32
      %eq3A_93 = arith.cmpi eq, %jit3A_91, %eq3A_92 : i32
      %jit3A_94 = arith.constant 1 : i32
      %select_n3A_95 = arith.select %eq3A_93, %jit3A_94, %jit3A_91 : i32
      %rem3A_96 = arith.remsi %scan3A_72, %select_n3A_95 : i32
      %ne3A_97 = arith.constant 0 : i32
      %ne3A_98 = arith.cmpi ne, %rem3A_96, %ne3A_97 : i32
      %lt3A_99 = arith.constant 0 : i32
      %lt3A_100 = arith.cmpi slt, %rem3A_96, %lt3A_99 : i32
      %lt3A_101 = arith.constant 0 : i32
      %lt3A_102 = arith.cmpi slt, %select_n3A_95, %lt3A_101 : i32
      %ne3A_103 = arith.xori %lt3A_100, %lt3A_102 : i1
      %and3A_104 = arith.andi %ne3A_103, %ne3A_98 : i1
      %add3A_105 = arith.addi %rem3A_96, %select_n3A_95 : i32
      %select_n3A_106 = arith.select %and3A_104, %add3A_105, %rem3A_96 : i32
      %mul3A_107 = arith.constant 16 : i32
      %mul3A_108 = arith.muli %select_n3A_106, %mul3A_107 : i32
      %swap3A = arith.index_cast %select_n3A_90 : i32 to index
      %swap3A_109 = arith.index_cast %mul3A_108 : i32 to index
      %swap3A_110 = tpu.vector_load %arg8[%swap3A, %swap3A_109] {strides = array<i32>} : memref<80x128xf32, #tpu.memory_space<vmem>>, vector<1x16xf32>,
      %swap3A_111 = vector.shape_cast %swap3A_110 : vector<1x16xf32> to vector<16xf32>
      %swap3A_112 = vector.shape_cast %broadcast_in_dim3A_0 : vector<16xf32> to vector<1x16xf32>
      tpu.vector_store %arg8[%swap3A, %swap3A_109], %swap3A_112 {strides = array<i32>} : memref<80x128xf32, #tpu.memory_space<vmem>>, vector<1x16xf32>,
    }
    %scan3A_5 = arith.constant 640 : i32
    %mul3A = arith.constant 640 : i32
    %mul3A_6 = arith.muli %arg1, %mul3A : i32
    %lt3A = arith.constant 15 : i32
    %lt3A_7 = arith.cmpi slt, %arg1, %lt3A : i32
    %jit3A = arith.constant 8 : i32
    %jit3A_8 = arith.constant 5 : i32
    %select_n3A = arith.select %lt3A_7, %jit3A, %jit3A_8 : i32
    %while3A = arith.constant 0 : i32
    %while3A_9 = arith.constant 0 : i32
    %while3A_10 = arith.subi %select_n3A, %while3A_9 : i32
    %while3A_11 = arith.addi %while3A_9, %while3A_10 : i32
    %while3A_12 = arith.constant 1 : i32
    %while3A_13 = arith.divsi %while3A_10, %while3A_12 : i32
    %while3A_14 = arith.muli %while3A_13, %while3A_12 : i32
    %while3A_15 = arith.addi %while3A_9, %while3A_14 : i32
    %while3A_16 = arith.constant 1 : i32
    scf.for %while3A_72 = %while3A_9 to %while3A_15 step %while3A_16  : i32 {
      %mul3A_73 = arith.constant 80 : i32
      %mul3A_74 = arith.muli %while3A_72, %mul3A_73 : i32
      %add3A_75 = arith.addi %mul3A_6, %mul3A_74 : i32
      "tpu.region"() ({
        %run_scoped3A = tpu.sem_alloc : memref<!tpu.dma_semaphore, #tpu.memory_space<semaphore_mem>>
        %dma_start3A = arith.constant 0 : i32
        %dma_start3A_76 = tpu.memref_slice %arg7[%add3A_75, %dma_start3A] : memref<10000x128xf32, #tpu.memory_space<vmem_shared>> -> memref<80x128xf32, #tpu.memory_space<vmem_shared>>
        %dma_start3A_77 = arith.constant 0 : i32
        %dma_start3A_78 = tpu.memref_slice %arg7[%add3A_75, %dma_start3A_77] : memref<10000x128xf32, #tpu.memory_space<vmem_shared>> -> memref<80x128xf32, #tpu.memory_space<vmem_shared>>
        tpu.enqueue_dma source(%arg8 : memref<80x128xf32, #tpu.memory_space<vmem>>) target(%dma_start3A_78 : memref<80x128xf32, #tpu.memory_space<vmem_shared>>) target_semaphore(%run_scoped3A : memref<!tpu.dma_semaphore, #tpu.memory_space<semaphore_mem>>)
        %dma_wait3A = arith.constant 0 : i32
        %dma_wait3A_79 = tpu.memref_slice %arg7[%add3A_75, %dma_wait3A] : memref<10000x128xf32, #tpu.memory_space<vmem_shared>> -> memref<80x128xf32, #tpu.memory_space<vmem_shared>>
        %dma_wait3A_80 = arith.constant 0 : i32
        %dma_wait3A_81 = tpu.memref_slice %arg7[%add3A_75, %dma_wait3A_80] : memref<10000x128xf32, #tpu.memory_space<vmem_shared>> -> memref<80x128xf32, #tpu.memory_space<vmem_shared>>
        tpu.wait_dma2 semaphore(%run_scoped3A : memref<!tpu.dma_semaphore, #tpu.memory_space<semaphore_mem>>) src(%arg8 : memref<80x128xf32, #tpu.memory_space<vmem>>) dst(%dma_wait3A_81 : memref<80x128xf32, #tpu.memory_space<vmem_shared>>)
        tpu.yield
      }) : () -> ()
    }
    %while3A_17 = arith.constant 1 : i32
    scf.for %while3A_72 = %while3A_15 to %while3A_11 step %while3A_17  : i32 {
      %mul3A_73 = arith.constant 80 : i32
      %mul3A_74 = arith.muli %while3A_72, %mul3A_73 : i32
      %add3A_75 = arith.addi %mul3A_6, %mul3A_74 : i32
      "tpu.region"() ({
        %run_scoped3A = tpu.sem_alloc : memref<!tpu.dma_semaphore, #tpu.memory_space<semaphore_mem>>
        %dma_start3A = arith.constant 0 : i32
        %dma_start3A_76 = tpu.memref_slice %arg7[%add3A_75, %dma_start3A] : memref<10000x128xf32, #tpu.memory_space<vmem_shared>> -> memref<80x128xf32, #tpu.memory_space<vmem_shared>>
        %dma_start3A_77 = arith.constant 0 : i32
        %dma_start3A_78 = tpu.memref_slice %arg7[%add3A_75, %dma_start3A_77] : memref<10000x128xf32, #tpu.memory_space<vmem_shared>> -> memref<80x128xf32, #tpu.memory_space<vmem_shared>>
        tpu.enqueue_dma source(%arg8 : memref<80x128xf32, #tpu.memory_space<vmem>>) target(%dma_start3A_78 : memref<80x128xf32, #tpu.memory_space<vmem_shared>>) target_semaphore(%run_scoped3A : memref<!tpu.dma_semaphore, #tpu.memory_space<semaphore_mem>>)
        %dma_wait3A = arith.constant 0 : i32
        %dma_wait3A_79 = tpu.memref_slice %arg7[%add3A_75, %dma_wait3A] : memref<10000x128xf32, #tpu.memory_space<vmem_shared>> -> memref<80x128xf32, #tpu.memory_space<vmem_shared>>
        %dma_wait3A_80 = arith.constant 0 : i32
        %dma_wait3A_81 = tpu.memref_slice %arg7[%add3A_75, %dma_wait3A_80] : memref<10000x128xf32, #tpu.memory_space<vmem_shared>> -> memref<80x128xf32, #tpu.memory_space<vmem_shared>>
        tpu.wait_dma2 semaphore(%run_scoped3A : memref<!tpu.dma_semaphore, #tpu.memory_space<semaphore_mem>>) src(%arg8 : memref<80x128xf32, #tpu.memory_space<vmem>>) dst(%dma_wait3A_81 : memref<80x128xf32, #tpu.memory_space<vmem_shared>>)
        tpu.yield
      }) : () -> ()
    }
    %broadcast_in_dim3A_18 = arith.constant 1.000000e+00 : f32
    %broadcast_in_dim3A_19 = vector.broadcast %broadcast_in_dim3A_18 : f32 to vector<16xf32>
    %scan3A_20 = arith.constant 0 : i32
    %scan3A_21 = arith.constant 0 : i32
    %scan3A_22 = arith.constant 80 : i32
    %scan3A_23 = arith.addi %scan3A_21, %scan3A_22 : i32
    %scan3A_24 = arith.constant 1 : i32
    scf.for %scan3A_72 = %scan3A_21 to %scan3A_23 step %scan3A_24  : i32 {
      %swap3A = arith.index_cast %scan3A_72 : i32 to index
      %swap3A_73 = arith.constant 0 : index
      %swap3A_74 = tpu.vector_load %arg13[%swap3A, %swap3A_73] {strides = array<i32>} : memref<80x16xf32, #tpu.memory_space<vmem>>, vector<1x16xf32>,
      %swap3A_75 = vector.shape_cast %swap3A_74 : vector<1x16xf32> to vector<16xf32>
      %swap3A_76 = vector.shape_cast %broadcast_in_dim3A_19 : vector<16xf32> to vector<1x16xf32>
      tpu.vector_store %arg13[%swap3A, %swap3A_73], %swap3A_76 {strides = array<i32>} : memref<80x16xf32, #tpu.memory_space<vmem>>, vector<1x16xf32>,
    }
    %scan3A_25 = arith.constant 80 : i32
    %scan3A_26 = arith.constant 0 : i32
    %scan3A_27 = arith.constant 0 : i32
    %scan3A_28 = arith.constant 632 : i32
    %scan3A_29 = arith.addi %scan3A_27, %scan3A_28 : i32
    %scan3A_30 = arith.constant 1 : i32
    scf.for %scan3A_72 = %scan3A_27 to %scan3A_29 step %scan3A_30  : i32 {
      %swap3A = arith.index_cast %scan3A_72 : i32 to index
      %swap3A_73 = arith.constant 0 : index
      %swap3A_74 = tpu.vector_load %arg14[%swap3A, %swap3A_73] {strides = array<i32>} : memref<632x16xf32, #tpu.memory_space<vmem>>, vector<1x16xf32>,
      %swap3A_75 = vector.shape_cast %swap3A_74 : vector<1x16xf32> to vector<16xf32>
      %swap3A_76 = vector.shape_cast %broadcast_in_dim3A_0 : vector<16xf32> to vector<1x16xf32>
      tpu.vector_store %arg14[%swap3A, %swap3A_73], %swap3A_76 {strides = array<i32>} : memref<632x16xf32, #tpu.memory_space<vmem>>, vector<1x16xf32>,
    }
    %scan3A_31 = arith.constant 632 : i32
    %lt3A_32 = arith.constant 15 : i32
    %lt3A_33 = arith.cmpi slt, %arg1, %lt3A_32 : i32
    %convert_element_type3A = arith.extui %lt3A_33 : i1 to i32
    %cond3A = arith.constant 0 : i32
    %cond3A_34 = arith.cmpi ne, %convert_element_type3A, %cond3A : i32
    scf.if %cond3A_34 {
      %mul3A_72 = arith.constant 632 : i32
      %mul3A_73 = arith.muli %arg1, %mul3A_72 : i32
      "tpu.region"() ({
        %run_scoped3A = tpu.sem_alloc : memref<!tpu.dma_semaphore, #tpu.memory_space<semaphore_mem>>
        %dma_start3A = arith.constant 0 : i32
        %dma_start3A_74 = tpu.memref_slice %arg12[%mul3A_73, %dma_start3A] : memref<10000x16xf32, #tpu.memory_space<vmem_shared>> -> memref<632x16xf32, #tpu.memory_space<vmem_shared>>
        %dma_start3A_75 = arith.constant 0 : i32
        %dma_start3A_76 = tpu.memref_slice %arg12[%mul3A_73, %dma_start3A_75] : memref<10000x16xf32, #tpu.memory_space<vmem_shared>> -> memref<632x16xf32, #tpu.memory_space<vmem_shared>>
        tpu.enqueue_dma source(%arg14 : memref<632x16xf32, #tpu.memory_space<vmem>>) target(%dma_start3A_76 : memref<632x16xf32, #tpu.memory_space<vmem_shared>>) target_semaphore(%run_scoped3A : memref<!tpu.dma_semaphore, #tpu.memory_space<semaphore_mem>>)
        %dma_wait3A = arith.constant 0 : i32
        %dma_wait3A_77 = tpu.memref_slice %arg12[%mul3A_73, %dma_wait3A] : memref<10000x16xf32, #tpu.memory_space<vmem_shared>> -> memref<632x16xf32, #tpu.memory_space<vmem_shared>>
        %dma_wait3A_78 = arith.constant 0 : i32
        %dma_wait3A_79 = tpu.memref_slice %arg12[%mul3A_73, %dma_wait3A_78] : memref<10000x16xf32, #tpu.memory_space<vmem_shared>> -> memref<632x16xf32, #tpu.memory_space<vmem_shared>>
        tpu.wait_dma2 semaphore(%run_scoped3A : memref<!tpu.dma_semaphore, #tpu.memory_space<semaphore_mem>>) src(%arg14 : memref<632x16xf32, #tpu.memory_space<vmem>>) dst(%dma_wait3A_79 : memref<632x16xf32, #tpu.memory_space<vmem_shared>>)
        tpu.yield
      }) : () -> ()
    } else {
    }
    %eq3A = arith.constant 15 : i32
    %eq3A_35 = arith.cmpi eq, %arg1, %eq3A : i32
    %convert_element_type3A_36 = arith.extui %eq3A_35 : i1 to i32
    %cond3A_37 = arith.constant 0 : i32
    %cond3A_38 = arith.cmpi ne, %convert_element_type3A_36, %cond3A_37 : i32
    scf.if %cond3A_38 {
      "tpu.region"() ({
        %run_scoped3A = tpu.sem_alloc : memref<!tpu.dma_semaphore, #tpu.memory_space<semaphore_mem>>
        %dma_start3A = arith.constant 0 : i32
        %dma_start3A_72 = arith.constant 0 : i32
        %dma_start3A_73 = tpu.memref_slice %arg14[%dma_start3A, %dma_start3A_72] : memref<632x16xf32, #tpu.memory_space<vmem>> -> memref<520x16xf32, #tpu.memory_space<vmem>>
        %dma_start3A_74 = arith.constant 9480 : i32
        %dma_start3A_75 = arith.constant 0 : i32
        %dma_start3A_76 = tpu.memref_slice %arg12[%dma_start3A_74, %dma_start3A_75] : memref<10000x16xf32, #tpu.memory_space<vmem_shared>> -> memref<520x16xf32, #tpu.memory_space<vmem_shared>>
        %dma_start3A_77 = arith.constant 9480 : i32
        %dma_start3A_78 = arith.constant 0 : i32
        %dma_start3A_79 = tpu.memref_slice %arg12[%dma_start3A_77, %dma_start3A_78] : memref<10000x16xf32, #tpu.memory_space<vmem_shared>> -> memref<520x16xf32, #tpu.memory_space<vmem_shared>>
        %dma_start3A_80 = arith.constant 0 : i32
        %dma_start3A_81 = arith.constant 0 : i32
        %dma_start3A_82 = tpu.memref_slice %arg14[%dma_start3A_80, %dma_start3A_81] : memref<632x16xf32, #tpu.memory_space<vmem>> -> memref<520x16xf32, #tpu.memory_space<vmem>>
        tpu.enqueue_dma source(%dma_start3A_82 : memref<520x16xf32, #tpu.memory_space<vmem>>) target(%dma_start3A_79 : memref<520x16xf32, #tpu.memory_space<vmem_shared>>) target_semaphore(%run_scoped3A : memref<!tpu.dma_semaphore, #tpu.memory_space<semaphore_mem>>)
        %dma_wait3A = arith.constant 0 : i32
        %dma_wait3A_83 = arith.constant 0 : i32
        %dma_wait3A_84 = tpu.memref_slice %arg14[%dma_wait3A, %dma_wait3A_83] : memref<632x16xf32, #tpu.memory_space<vmem>> -> memref<520x16xf32, #tpu.memory_space<vmem>>
        %dma_wait3A_85 = arith.constant 9480 : i32
        %dma_wait3A_86 = arith.constant 0 : i32
        %dma_wait3A_87 = tpu.memref_slice %arg12[%dma_wait3A_85, %dma_wait3A_86] : memref<10000x16xf32, #tpu.memory_space<vmem_shared>> -> memref<520x16xf32, #tpu.memory_space<vmem_shared>>
        %dma_wait3A_88 = arith.constant 9480 : i32
        %dma_wait3A_89 = arith.constant 0 : i32
        %dma_wait3A_90 = tpu.memref_slice %arg12[%dma_wait3A_88, %dma_wait3A_89] : memref<10000x16xf32, #tpu.memory_space<vmem_shared>> -> memref<520x16xf32, #tpu.memory_space<vmem_shared>>
        %dma_wait3A_91 = arith.constant 0 : i32
        %dma_wait3A_92 = arith.constant 0 : i32
        %dma_wait3A_93 = tpu.memref_slice %arg14[%dma_wait3A_91, %dma_wait3A_92] : memref<632x16xf32, #tpu.memory_space<vmem>> -> memref<520x16xf32, #tpu.memory_space<vmem>>
        tpu.wait_dma2 semaphore(%run_scoped3A : memref<!tpu.dma_semaphore, #tpu.memory_space<semaphore_mem>>) src(%dma_wait3A_93 : memref<520x16xf32, #tpu.memory_space<vmem>>) dst(%dma_wait3A_90 : memref<520x16xf32, #tpu.memory_space<vmem_shared>>)
        tpu.yield
      }) : () -> ()
    } else {
    }
    %barrier3A = arith.constant 0 : index
    tpu.barrier barrier_id(%barrier3A)
    %mul3A_39 = arith.constant 16 : i32
    %mul3A_40 = arith.muli %arg0, %mul3A_39 : i32
    %add3A = arith.addi %mul3A_40, %arg1 : i32
    %mul3A_41 = arith.constant 10000 : i32
    %mul3A_42 = arith.muli %add3A, %mul3A_41 : i32
    %scan3A_43 = arith.constant 0 : i32
    %scan3A_44 = arith.constant 0 : i32
    %scan3A_45 = arith.constant 125 : i32
    %scan3A_46 = arith.addi %scan3A_44, %scan3A_45 : i32
    %scan3A_47 = arith.constant 1 : i32
    scf.for %scan3A_72 = %scan3A_44 to %scan3A_46 step %scan3A_47  : i32 {
      %mul3A_73 = arith.constant 80 : i32
      %mul3A_74 = arith.muli %scan3A_72, %mul3A_73 : i32
      %add3A_75 = arith.addi %mul3A_42, %mul3A_74 : i32
      "tpu.region"() ({
        %run_scoped3A = tpu.sem_alloc : memref<!tpu.dma_semaphore, #tpu.memory_space<semaphore_mem>>
        %dma_start3A_80 = tpu.memref_slice %arg3[%add3A_75] : memref<320000xi32, #tpu.memory_space<hbm>> -> memref<80xi32, #tpu.memory_space<hbm>>
        %dma_start3A_81 = tpu.memref_slice %arg3[%add3A_75] : memref<320000xi32, #tpu.memory_space<hbm>> -> memref<80xi32, #tpu.memory_space<hbm>>
        tpu.enqueue_dma source(%dma_start3A_81 : memref<80xi32, #tpu.memory_space<hbm>>) target(%arg9 : memref<80xi32, #tpu.memory_space<vmem>>) target_semaphore(%run_scoped3A : memref<!tpu.dma_semaphore, #tpu.memory_space<semaphore_mem>>)
        %dma_wait3A_82 = tpu.memref_slice %arg3[%add3A_75] : memref<320000xi32, #tpu.memory_space<hbm>> -> memref<80xi32, #tpu.memory_space<hbm>>
        %dma_wait3A_83 = tpu.memref_slice %arg3[%add3A_75] : memref<320000xi32, #tpu.memory_space<hbm>> -> memref<80xi32, #tpu.memory_space<hbm>>
        tpu.wait_dma2 semaphore(%run_scoped3A : memref<!tpu.dma_semaphore, #tpu.memory_space<semaphore_mem>>) src(%dma_wait3A_83 : memref<80xi32, #tpu.memory_space<hbm>>) dst(%arg9 : memref<80xi32, #tpu.memory_space<vmem>>)
        tpu.yield
      }) : () -> ()
      "tpu.region"() ({
        %run_scoped3A = tpu.sem_alloc : memref<!tpu.dma_semaphore, #tpu.memory_space<semaphore_mem>>
        %dma_start3A_80 = tpu.memref_slice %arg4[%add3A_75] : memref<320000xi32, #tpu.memory_space<hbm>> -> memref<80xi32, #tpu.memory_space<hbm>>
        %dma_start3A_81 = tpu.memref_slice %arg4[%add3A_75] : memref<320000xi32, #tpu.memory_space<hbm>> -> memref<80xi32, #tpu.memory_space<hbm>>
        tpu.enqueue_dma source(%dma_start3A_81 : memref<80xi32, #tpu.memory_space<hbm>>) target(%arg10 : memref<80xi32, #tpu.memory_space<vmem>>) target_semaphore(%run_scoped3A : memref<!tpu.dma_semaphore, #tpu.memory_space<semaphore_mem>>)
        %dma_wait3A_82 = tpu.memref_slice %arg4[%add3A_75] : memref<320000xi32, #tpu.memory_space<hbm>> -> memref<80xi32, #tpu.memory_space<hbm>>
        %dma_wait3A_83 = tpu.memref_slice %arg4[%add3A_75] : memref<320000xi32, #tpu.memory_space<hbm>> -> memref<80xi32, #tpu.memory_space<hbm>>
        tpu.wait_dma2 semaphore(%run_scoped3A : memref<!tpu.dma_semaphore, #tpu.memory_space<semaphore_mem>>) src(%dma_wait3A_83 : memref<80xi32, #tpu.memory_space<hbm>>) dst(%arg10 : memref<80xi32, #tpu.memory_space<vmem>>)
        tpu.yield
      }) : () -> ()
      %dma_start3A = arith.constant 0 : i32
      %dma_start3A_76 = arith.constant 0 : i32
      %dma_start3A_77 = tpu.memref_slice %arg2[%dma_start3A, %dma_start3A_76] : memref<10000x128xf32, #tpu.memory_space<hbm>> -> memref<10000x128xf32, #tpu.memory_space<hbm>>
      tpu.enqueue_indirect_dma source(%dma_start3A_77 : memref<10000x128xf32, #tpu.memory_space<hbm>>) target(%arg8 : memref<80x128xf32, #tpu.memory_space<vmem>>) offsets(%arg9 : memref<80xi32, #tpu.memory_space<vmem>>) semaphore(%arg11 : memref<!tpu.dma_semaphore, #tpu.memory_space<semaphore_mem>>)
      %dma_wait3A = arith.constant 0 : i32
      %dma_wait3A_78 = arith.constant 0 : i32
      %dma_wait3A_79 = tpu.memref_slice %arg2[%dma_wait3A, %dma_wait3A_78] : memref<10000x128xf32, #tpu.memory_space<hbm>> -> memref<10000x128xf32, #tpu.memory_space<hbm>>
      tpu.wait_indirect_dma semaphore(%arg11 : memref<!tpu.dma_semaphore, #tpu.memory_space<semaphore_mem>>) src(%dma_wait3A_79 : memref<10000x128xf32, #tpu.memory_space<hbm>>) dst(%arg8 : memref<80x128xf32, #tpu.memory_space<vmem>>)
      "tpu.region"() ({
        %run_scoped3A = tpu.sem_alloc : memref<!tpu.dma_semaphore, #tpu.memory_space<semaphore_mem>>
        %dma_start3A_80 = arith.constant 0 : i32
        %dma_start3A_81 = arith.constant 0 : i32
        %dma_start3A_82 = tpu.memref_slice %arg7[%dma_start3A_80, %dma_start3A_81] : memref<10000x128xf32, #tpu.memory_space<vmem_shared>> -> memref<10000x128xf32, #tpu.memory_space<vmem_shared>>
        tpu.enqueue_indirect_dma source(%arg8 : memref<80x128xf32, #tpu.memory_space<vmem>>) target(%dma_start3A_82 : memref<10000x128xf32, #tpu.memory_space<vmem_shared>>) offsets(%arg10 : memref<80xi32, #tpu.memory_space<vmem>>) semaphore(%run_scoped3A : memref<!tpu.dma_semaphore, #tpu.memory_space<semaphore_mem>>) {add = true}
        %dma_wait3A_83 = arith.constant 0 : i32
        %dma_wait3A_84 = arith.constant 0 : i32
        %dma_wait3A_85 = tpu.memref_slice %arg7[%dma_wait3A_83, %dma_wait3A_84] : memref<10000x128xf32, #tpu.memory_space<vmem_shared>> -> memref<10000x128xf32, #tpu.memory_space<vmem_shared>>
        tpu.wait_indirect_dma semaphore(%run_scoped3A : memref<!tpu.dma_semaphore, #tpu.memory_space<semaphore_mem>>) src(%arg8 : memref<80x128xf32, #tpu.memory_space<vmem>>) dst(%dma_wait3A_85 : memref<10000x128xf32, #tpu.memory_space<vmem_shared>>)
        tpu.yield
      }) : () -> ()
      "tpu.region"() ({
        %run_scoped3A = tpu.sem_alloc : memref<!tpu.dma_semaphore, #tpu.memory_space<semaphore_mem>>
        %dma_start3A_80 = arith.constant 0 : i32
        %dma_start3A_81 = arith.constant 0 : i32
        %dma_start3A_82 = tpu.memref_slice %arg12[%dma_start3A_80, %dma_start3A_81] : memref<10000x16xf32, #tpu.memory_space<vmem_shared>> -> memref<10000x16xf32, #tpu.memory_space<vmem_shared>>
        tpu.enqueue_indirect_dma source(%arg13 : memref<80x16xf32, #tpu.memory_space<vmem>>) target(%dma_start3A_82 : memref<10000x16xf32, #tpu.memory_space<vmem_shared>>) offsets(%arg10 : memref<80xi32, #tpu.memory_space<vmem>>) semaphore(%run_scoped3A : memref<!tpu.dma_semaphore, #tpu.memory_space<semaphore_mem>>) {add = true}
        %dma_wait3A_83 = arith.constant 0 : i32
        %dma_wait3A_84 = arith.constant 0 : i32
        %dma_wait3A_85 = tpu.memref_slice %arg12[%dma_wait3A_83, %dma_wait3A_84] : memref<10000x16xf32, #tpu.memory_space<vmem_shared>> -> memref<10000x16xf32, #tpu.memory_space<vmem_shared>>
        tpu.wait_indirect_dma semaphore(%run_scoped3A : memref<!tpu.dma_semaphore, #tpu.memory_space<semaphore_mem>>) src(%arg13 : memref<80x16xf32, #tpu.memory_space<vmem>>) dst(%dma_wait3A_85 : memref<10000x16xf32, #tpu.memory_space<vmem_shared>>)
        tpu.yield
      }) : () -> ()
    }
    %scan3A_48 = arith.constant 125 : i32
    %barrier3A_49 = arith.constant 0 : index
    tpu.barrier barrier_id(%barrier3A_49)
    %mul3A_50 = arith.constant 10000 : i32
    %mul3A_51 = arith.muli %arg0, %mul3A_50 : i32
    %lt3A_52 = arith.constant 15 : i32
    %lt3A_53 = arith.cmpi slt, %arg1, %lt3A_52 : i32
    %convert_element_type3A_54 = arith.extui %lt3A_53 : i1 to i32
    %cond3A_55 = arith.constant 0 : i32
    %cond3A_56 = arith.cmpi ne, %convert_element_type3A_54, %cond3A_55 : i32
    scf.if %cond3A_56 {
      %mul3A_72 = arith.constant 640 : i32
      %mul3A_73 = arith.muli %arg1, %mul3A_72 : i32
      %mul3A_74 = arith.constant 640 : i32
      %mul3A_75 = arith.muli %arg1, %mul3A_74 : i32
      %add3A_76 = arith.addi %mul3A_51, %mul3A_75 : i32
      "tpu.region"() ({
        %run_scoped3A = tpu.sem_alloc : memref<!tpu.dma_semaphore, #tpu.memory_space<semaphore_mem>>
        %dma_start3A = arith.constant 0 : i32
        %dma_start3A_77 = tpu.memref_slice %arg5[%add3A_76, %dma_start3A] : memref<20000x128xf32, #tpu.memory_space<hbm>> -> memref<640x128xf32, #tpu.memory_space<hbm>>
        %dma_start3A_78 = arith.constant 0 : i32
        %dma_start3A_79 = tpu.memref_slice %arg7[%mul3A_73, %dma_start3A_78] : memref<10000x128xf32, #tpu.memory_space<vmem_shared>> -> memref<640x128xf32, #tpu.memory_space<vmem_shared>>
        tpu.enqueue_dma source(%dma_start3A_79 : memref<640x128xf32, #tpu.memory_space<vmem_shared>>) target(%dma_start3A_77 : memref<640x128xf32, #tpu.memory_space<hbm>>) target_semaphore(%run_scoped3A : memref<!tpu.dma_semaphore, #tpu.memory_space<semaphore_mem>>)
        %dma_wait3A = arith.constant 0 : i32
        %dma_wait3A_80 = tpu.memref_slice %arg5[%add3A_76, %dma_wait3A] : memref<20000x128xf32, #tpu.memory_space<hbm>> -> memref<640x128xf32, #tpu.memory_space<hbm>>
        %dma_wait3A_81 = arith.constant 0 : i32
        %dma_wait3A_82 = tpu.memref_slice %arg7[%mul3A_73, %dma_wait3A_81] : memref<10000x128xf32, #tpu.memory_space<vmem_shared>> -> memref<640x128xf32, #tpu.memory_space<vmem_shared>>
        tpu.wait_dma2 semaphore(%run_scoped3A : memref<!tpu.dma_semaphore, #tpu.memory_space<semaphore_mem>>) src(%dma_wait3A_82 : memref<640x128xf32, #tpu.memory_space<vmem_shared>>) dst(%dma_wait3A_80 : memref<640x128xf32, #tpu.memory_space<hbm>>)
        tpu.yield
      }) : () -> ()
    } else {
    }
    %eq3A_57 = arith.constant 15 : i32
    %eq3A_58 = arith.cmpi eq, %arg1, %eq3A_57 : i32
    %convert_element_type3A_59 = arith.extui %eq3A_58 : i1 to i32
    %cond3A_60 = arith.constant 0 : i32
    %cond3A_61 = arith.cmpi ne, %convert_element_type3A_59, %cond3A_60 : i32
    scf.if %cond3A_61 {
      %add3A_72 = arith.constant 9600 : i32
      %add3A_73 = arith.addi %mul3A_51, %add3A_72 : i32
      "tpu.region"() ({
        %run_scoped3A = tpu.sem_alloc : memref<!tpu.dma_semaphore, #tpu.memory_space<semaphore_mem>>
        %dma_start3A = arith.constant 0 : i32
        %dma_start3A_74 = tpu.memref_slice %arg5[%add3A_73, %dma_start3A] : memref<20000x128xf32, #tpu.memory_space<hbm>> -> memref<400x128xf32, #tpu.memory_space<hbm>>
        %dma_start3A_75 = arith.constant 9600 : i32
        %dma_start3A_76 = arith.constant 0 : i32
        %dma_start3A_77 = tpu.memref_slice %arg7[%dma_start3A_75, %dma_start3A_76] : memref<10000x128xf32, #tpu.memory_space<vmem_shared>> -> memref<400x128xf32, #tpu.memory_space<vmem_shared>>
        tpu.enqueue_dma source(%dma_start3A_77 : memref<400x128xf32, #tpu.memory_space<vmem_shared>>) target(%dma_start3A_74 : memref<400x128xf32, #tpu.memory_space<hbm>>) target_semaphore(%run_scoped3A : memref<!tpu.dma_semaphore, #tpu.memory_space<semaphore_mem>>)
        %dma_wait3A = arith.constant 0 : i32
        %dma_wait3A_78 = tpu.memref_slice %arg5[%add3A_73, %dma_wait3A] : memref<20000x128xf32, #tpu.memory_space<hbm>> -> memref<400x128xf32, #tpu.memory_space<hbm>>
        %dma_wait3A_79 = arith.constant 9600 : i32
        %dma_wait3A_80 = arith.constant 0 : i32
        %dma_wait3A_81 = tpu.memref_slice %arg7[%dma_wait3A_79, %dma_wait3A_80] : memref<10000x128xf32, #tpu.memory_space<vmem_shared>> -> memref<400x128xf32, #tpu.memory_space<vmem_shared>>
        tpu.wait_dma2 semaphore(%run_scoped3A : memref<!tpu.dma_semaphore, #tpu.memory_space<semaphore_mem>>) src(%dma_wait3A_81 : memref<400x128xf32, #tpu.memory_space<vmem_shared>>) dst(%dma_wait3A_78 : memref<400x128xf32, #tpu.memory_space<hbm>>)
        tpu.yield
      }) : () -> ()
    } else {
    }
    %lt3A_62 = arith.constant 15 : i32
    %lt3A_63 = arith.cmpi slt, %arg1, %lt3A_62 : i32
    %convert_element_type3A_64 = arith.extui %lt3A_63 : i1 to i32
    %cond3A_65 = arith.constant 0 : i32
    %cond3A_66 = arith.cmpi ne, %convert_element_type3A_64, %cond3A_65 : i32
    scf.if %cond3A_66 {
      %mul3A_72 = arith.constant 632 : i32
      %mul3A_73 = arith.muli %arg1, %mul3A_72 : i32
      %mul3A_74 = arith.constant 632 : i32
      %mul3A_75 = arith.muli %arg1, %mul3A_74 : i32
      %add3A_76 = arith.addi %mul3A_51, %mul3A_75 : i32
      "tpu.region"() ({
        %run_scoped3A = tpu.sem_alloc : memref<!tpu.dma_semaphore, #tpu.memory_space<semaphore_mem>>
        %dma_start3A = arith.constant 0 : i32
        %dma_start3A_77 = tpu.memref_slice %arg6[%add3A_76, %dma_start3A] : memref<20000x16xf32, #tpu.memory_space<hbm>> -> memref<632x16xf32, #tpu.memory_space<hbm>>
        %dma_start3A_78 = arith.constant 0 : i32
        %dma_start3A_79 = tpu.memref_slice %arg12[%mul3A_73, %dma_start3A_78] : memref<10000x16xf32, #tpu.memory_space<vmem_shared>> -> memref<632x16xf32, #tpu.memory_space<vmem_shared>>
        tpu.enqueue_dma source(%dma_start3A_79 : memref<632x16xf32, #tpu.memory_space<vmem_shared>>) target(%dma_start3A_77 : memref<632x16xf32, #tpu.memory_space<hbm>>) target_semaphore(%run_scoped3A : memref<!tpu.dma_semaphore, #tpu.memory_space<semaphore_mem>>)
        %dma_wait3A = arith.constant 0 : i32
        %dma_wait3A_80 = tpu.memref_slice %arg6[%add3A_76, %dma_wait3A] : memref<20000x16xf32, #tpu.memory_space<hbm>> -> memref<632x16xf32, #tpu.memory_space<hbm>>
        %dma_wait3A_81 = arith.constant 0 : i32
        %dma_wait3A_82 = tpu.memref_slice %arg12[%mul3A_73, %dma_wait3A_81] : memref<10000x16xf32, #tpu.memory_space<vmem_shared>> -> memref<632x16xf32, #tpu.memory_space<vmem_shared>>
        tpu.wait_dma2 semaphore(%run_scoped3A : memref<!tpu.dma_semaphore, #tpu.memory_space<semaphore_mem>>) src(%dma_wait3A_82 : memref<632x16xf32, #tpu.memory_space<vmem_shared>>) dst(%dma_wait3A_80 : memref<632x16xf32, #tpu.memory_space<hbm>>)
        tpu.yield
      }) : () -> ()
    } else {
    }
    %eq3A_67 = arith.constant 15 : i32
    %eq3A_68 = arith.cmpi eq, %arg1, %eq3A_67 : i32
    %convert_element_type3A_69 = arith.extui %eq3A_68 : i1 to i32
    %cond3A_70 = arith.constant 0 : i32
    %cond3A_71 = arith.cmpi ne, %convert_element_type3A_69, %cond3A_70 : i32
    scf.if %cond3A_71 {
      %add3A_72 = arith.constant 9480 : i32
      %add3A_73 = arith.addi %mul3A_51, %add3A_72 : i32
      "tpu.region"() ({
        %run_scoped3A = tpu.sem_alloc : memref<!tpu.dma_semaphore, #tpu.memory_space<semaphore_mem>>
        %dma_start3A = arith.constant 0 : i32
        %dma_start3A_74 = tpu.memref_slice %arg6[%add3A_73, %dma_start3A] : memref<20000x16xf32, #tpu.memory_space<hbm>> -> memref<520x16xf32, #tpu.memory_space<hbm>>
        %dma_start3A_75 = arith.constant 9480 : i32
        %dma_start3A_76 = arith.constant 0 : i32
        %dma_start3A_77 = tpu.memref_slice %arg12[%dma_start3A_75, %dma_start3A_76] : memref<10000x16xf32, #tpu.memory_space<vmem_shared>> -> memref<520x16xf32, #tpu.memory_space<vmem_shared>>
        tpu.enqueue_dma source(%dma_start3A_77 : memref<520x16xf32, #tpu.memory_space<vmem_shared>>) target(%dma_start3A_74 : memref<520x16xf32, #tpu.memory_space<hbm>>) target_semaphore(%run_scoped3A : memref<!tpu.dma_semaphore, #tpu.memory_space<semaphore_mem>>)
        %dma_wait3A = arith.constant 0 : i32
        %dma_wait3A_78 = tpu.memref_slice %arg6[%add3A_73, %dma_wait3A] : memref<20000x16xf32, #tpu.memory_space<hbm>> -> memref<520x16xf32, #tpu.memory_space<hbm>>
        %dma_wait3A_79 = arith.constant 9480 : i32
        %dma_wait3A_80 = arith.constant 0 : i32
        %dma_wait3A_81 = tpu.memref_slice %arg12[%dma_wait3A_79, %dma_wait3A_80] : memref<10000x16xf32, #tpu.memory_space<vmem_shared>> -> memref<520x16xf32, #tpu.memory_space<vmem_shared>>
        tpu.wait_dma2 semaphore(%run_scoped3A : memref<!tpu.dma_semaphore, #tpu.memory_space<semaphore_mem>>) src(%dma_wait3A_81 : memref<520x16xf32, #tpu.memory_space<vmem_shared>>) dst(%dma_wait3A_78 : memref<520x16xf32, #tpu.memory_space<hbm>>)
        tpu.yield
      }) : () -> ()
    } else {
    }
    return
  }
}

#map = affine_map<(d0, d1) -> (0, 0)>
#map1 = affine_map<(d0, d1) -> (0)>
module attributes {stable_mosaic.version = 14 : i64} {
  func.func @body(%arg0: i32, %arg1: i32, %arg2: memref<10000x128xf32, #tpu.memory_space<hbm>>, %arg3: memref<320000xi32, #tpu.memory_space<hbm>>, %arg4: memref<320000xi32, #tpu.memory_space<hbm>>, %arg5: memref<20000x128xf32, #tpu.memory_space<hbm>>, %arg6: memref<10000x128xf32, #tpu.memory_space<vmem_shared>>, %arg7: memref<80x128xf32, #tpu.memory_space<vmem>>, %arg8: memref<80xi32, #tpu.memory_space<vmem>>, %arg9: memref<80xi32, #tpu.memory_space<vmem>>, %arg10: memref<!tpu.dma_semaphore, #tpu.memory_space<semaphore_mem>>) attributes {dimension_semantics = [#tpu.dimension_semantics<core_parallel>, #tpu.dimension_semantics<subcore_parallel>], iteration_bounds = array<i64: 2, 16>, scalar_prefetch = 0 : i64, scratch_operands = 5 : i64, tpu.core_type = #tpu.core_type<sc_vector_subcore>, window_params = [{transform_indices = #map}, {transform_indices = #map1}, {transform_indices = #map1}, {transform_indices = #map}]} {
    %broadcast_in_dim3A = arith.constant 0.000000e+00 : f32
    %broadcast_in_dim3A_0 = vector.broadcast %broadcast_in_dim3A : f32 to vector<16xf32>
    %scan3A = arith.constant 0 : i32
    %scan3A_1 = arith.constant 0 : i32
    %scan3A_2 = arith.constant 640 : i32
    %scan3A_3 = arith.addi %scan3A_1, %scan3A_2 : i32
    %scan3A_4 = arith.constant 1 : i32
    scf.for %scan3A_38 = %scan3A_1 to %scan3A_3 step %scan3A_4  : i32 {
      %jit3A_39 = arith.constant 8 : i32
      %div3A = arith.divsi %scan3A_38, %jit3A_39 : i32
      %sign3A = arith.constant 0 : i32
      %sign3A_40 = arith.cmpi sgt, %scan3A_38, %sign3A : i32
      %sign3A_41 = arith.extui %sign3A_40 : i1 to i32
      %sign3A_42 = arith.constant 0 : i32
      %sign3A_43 = arith.cmpi slt, %scan3A_38, %sign3A_42 : i32
      %sign3A_44 = arith.extui %sign3A_43 : i1 to i32
      %sign3A_45 = arith.subi %sign3A_41, %sign3A_44 : i32
      %sign3A_46 = arith.constant 0 : i32
      %sign3A_47 = arith.cmpi sgt, %jit3A_39, %sign3A_46 : i32
      %sign3A_48 = arith.extui %sign3A_47 : i1 to i32
      %sign3A_49 = arith.constant 0 : i32
      %sign3A_50 = arith.cmpi slt, %jit3A_39, %sign3A_49 : i32
      %sign3A_51 = arith.extui %sign3A_50 : i1 to i32
      %sign3A_52 = arith.subi %sign3A_48, %sign3A_51 : i32
      %ne3A = arith.cmpi ne, %sign3A_45, %sign3A_52 : i32
      %rem3A = arith.remsi %scan3A_38, %jit3A_39 : i32
      %ne3A_53 = arith.constant 0 : i32
      %ne3A_54 = arith.cmpi ne, %rem3A, %ne3A_53 : i32
      %and3A = arith.andi %ne3A, %ne3A_54 : i1
      %sub3A = arith.constant 1 : i32
      %sub3A_55 = arith.subi %div3A, %sub3A : i32
      %select_n3A_56 = arith.select %and3A, %sub3A_55, %div3A : i32
      %jit3A_57 = arith.constant 8 : i32
      %eq3A_58 = arith.constant 0 : i32
      %eq3A_59 = arith.cmpi eq, %jit3A_57, %eq3A_58 : i32
      %jit3A_60 = arith.constant 1 : i32
      %select_n3A_61 = arith.select %eq3A_59, %jit3A_60, %jit3A_57 : i32
      %rem3A_62 = arith.remsi %scan3A_38, %select_n3A_61 : i32
      %ne3A_63 = arith.constant 0 : i32
      %ne3A_64 = arith.cmpi ne, %rem3A_62, %ne3A_63 : i32
      %lt3A_65 = arith.constant 0 : i32
      %lt3A_66 = arith.cmpi slt, %rem3A_62, %lt3A_65 : i32
      %lt3A_67 = arith.constant 0 : i32
      %lt3A_68 = arith.cmpi slt, %select_n3A_61, %lt3A_67 : i32
      %ne3A_69 = arith.xori %lt3A_66, %lt3A_68 : i1
      %and3A_70 = arith.andi %ne3A_69, %ne3A_64 : i1
      %add3A_71 = arith.addi %rem3A_62, %select_n3A_61 : i32
      %select_n3A_72 = arith.select %and3A_70, %add3A_71, %rem3A_62 : i32
      %mul3A_73 = arith.constant 16 : i32
      %mul3A_74 = arith.muli %select_n3A_72, %mul3A_73 : i32
      %swap3A = arith.index_cast %select_n3A_56 : i32 to index
      %swap3A_75 = arith.index_cast %mul3A_74 : i32 to index
      %swap3A_76 = tpu.vector_load %arg7[%swap3A, %swap3A_75] {strides = array<i32>} : memref<80x128xf32, #tpu.memory_space<vmem>>, vector<1x16xf32>,
      %swap3A_77 = vector.shape_cast %swap3A_76 : vector<1x16xf32> to vector<16xf32>
      %swap3A_78 = vector.shape_cast %broadcast_in_dim3A_0 : vector<16xf32> to vector<1x16xf32>
      tpu.vector_store %arg7[%swap3A, %swap3A_75], %swap3A_78 {strides = array<i32>} : memref<80x128xf32, #tpu.memory_space<vmem>>, vector<1x16xf32>,
    }
    %scan3A_5 = arith.constant 640 : i32
    %mul3A = arith.constant 640 : i32
    %mul3A_6 = arith.muli %arg1, %mul3A : i32
    %lt3A = arith.constant 15 : i32
    %lt3A_7 = arith.cmpi slt, %arg1, %lt3A : i32
    %jit3A = arith.constant 8 : i32
    %jit3A_8 = arith.constant 5 : i32
    %select_n3A = arith.select %lt3A_7, %jit3A, %jit3A_8 : i32
    %while3A = arith.constant 0 : i32
    %while3A_9 = arith.constant 0 : i32
    %while3A_10 = arith.subi %select_n3A, %while3A_9 : i32
    %while3A_11 = arith.addi %while3A_9, %while3A_10 : i32
    %while3A_12 = arith.constant 1 : i32
    %while3A_13 = arith.divsi %while3A_10, %while3A_12 : i32
    %while3A_14 = arith.muli %while3A_13, %while3A_12 : i32
    %while3A_15 = arith.addi %while3A_9, %while3A_14 : i32
    %while3A_16 = arith.constant 1 : i32
    scf.for %while3A_38 = %while3A_9 to %while3A_15 step %while3A_16  : i32 {
      %mul3A_39 = arith.constant 80 : i32
      %mul3A_40 = arith.muli %while3A_38, %mul3A_39 : i32
      %add3A_41 = arith.addi %mul3A_6, %mul3A_40 : i32
      "tpu.region"() ({
        %run_scoped3A = tpu.sem_alloc : memref<!tpu.dma_semaphore, #tpu.memory_space<semaphore_mem>>
        %dma_start3A = arith.constant 0 : i32
        %dma_start3A_42 = tpu.memref_slice %arg6[%add3A_41, %dma_start3A] : memref<10000x128xf32, #tpu.memory_space<vmem_shared>> -> memref<80x128xf32, #tpu.memory_space<vmem_shared>>
        %dma_start3A_43 = arith.constant 0 : i32
        %dma_start3A_44 = tpu.memref_slice %arg6[%add3A_41, %dma_start3A_43] : memref<10000x128xf32, #tpu.memory_space<vmem_shared>> -> memref<80x128xf32, #tpu.memory_space<vmem_shared>>
        tpu.enqueue_dma source(%arg7 : memref<80x128xf32, #tpu.memory_space<vmem>>) target(%dma_start3A_44 : memref<80x128xf32, #tpu.memory_space<vmem_shared>>) target_semaphore(%run_scoped3A : memref<!tpu.dma_semaphore, #tpu.memory_space<semaphore_mem>>)
        %dma_wait3A = arith.constant 0 : i32
        %dma_wait3A_45 = tpu.memref_slice %arg6[%add3A_41, %dma_wait3A] : memref<10000x128xf32, #tpu.memory_space<vmem_shared>> -> memref<80x128xf32, #tpu.memory_space<vmem_shared>>
        %dma_wait3A_46 = arith.constant 0 : i32
        %dma_wait3A_47 = tpu.memref_slice %arg6[%add3A_41, %dma_wait3A_46] : memref<10000x128xf32, #tpu.memory_space<vmem_shared>> -> memref<80x128xf32, #tpu.memory_space<vmem_shared>>
        tpu.wait_dma2 semaphore(%run_scoped3A : memref<!tpu.dma_semaphore, #tpu.memory_space<semaphore_mem>>) src(%arg7 : memref<80x128xf32, #tpu.memory_space<vmem>>) dst(%dma_wait3A_47 : memref<80x128xf32, #tpu.memory_space<vmem_shared>>)
        tpu.yield
      }) : () -> ()
    }
    %while3A_17 = arith.constant 1 : i32
    scf.for %while3A_38 = %while3A_15 to %while3A_11 step %while3A_17  : i32 {
      %mul3A_39 = arith.constant 80 : i32
      %mul3A_40 = arith.muli %while3A_38, %mul3A_39 : i32
      %add3A_41 = arith.addi %mul3A_6, %mul3A_40 : i32
      "tpu.region"() ({
        %run_scoped3A = tpu.sem_alloc : memref<!tpu.dma_semaphore, #tpu.memory_space<semaphore_mem>>
        %dma_start3A = arith.constant 0 : i32
        %dma_start3A_42 = tpu.memref_slice %arg6[%add3A_41, %dma_start3A] : memref<10000x128xf32, #tpu.memory_space<vmem_shared>> -> memref<80x128xf32, #tpu.memory_space<vmem_shared>>
        %dma_start3A_43 = arith.constant 0 : i32
        %dma_start3A_44 = tpu.memref_slice %arg6[%add3A_41, %dma_start3A_43] : memref<10000x128xf32, #tpu.memory_space<vmem_shared>> -> memref<80x128xf32, #tpu.memory_space<vmem_shared>>
        tpu.enqueue_dma source(%arg7 : memref<80x128xf32, #tpu.memory_space<vmem>>) target(%dma_start3A_44 : memref<80x128xf32, #tpu.memory_space<vmem_shared>>) target_semaphore(%run_scoped3A : memref<!tpu.dma_semaphore, #tpu.memory_space<semaphore_mem>>)
        %dma_wait3A = arith.constant 0 : i32
        %dma_wait3A_45 = tpu.memref_slice %arg6[%add3A_41, %dma_wait3A] : memref<10000x128xf32, #tpu.memory_space<vmem_shared>> -> memref<80x128xf32, #tpu.memory_space<vmem_shared>>
        %dma_wait3A_46 = arith.constant 0 : i32
        %dma_wait3A_47 = tpu.memref_slice %arg6[%add3A_41, %dma_wait3A_46] : memref<10000x128xf32, #tpu.memory_space<vmem_shared>> -> memref<80x128xf32, #tpu.memory_space<vmem_shared>>
        tpu.wait_dma2 semaphore(%run_scoped3A : memref<!tpu.dma_semaphore, #tpu.memory_space<semaphore_mem>>) src(%arg7 : memref<80x128xf32, #tpu.memory_space<vmem>>) dst(%dma_wait3A_47 : memref<80x128xf32, #tpu.memory_space<vmem_shared>>)
        tpu.yield
      }) : () -> ()
    }
    %barrier3A = arith.constant 0 : index
    tpu.barrier barrier_id(%barrier3A)
    %mul3A_18 = arith.constant 16 : i32
    %mul3A_19 = arith.muli %arg0, %mul3A_18 : i32
    %add3A = arith.addi %mul3A_19, %arg1 : i32
    %mul3A_20 = arith.constant 10000 : i32
    %mul3A_21 = arith.muli %add3A, %mul3A_20 : i32
    %scan3A_22 = arith.constant 0 : i32
    %scan3A_23 = arith.constant 0 : i32
    %scan3A_24 = arith.constant 125 : i32
    %scan3A_25 = arith.addi %scan3A_23, %scan3A_24 : i32
    %scan3A_26 = arith.constant 1 : i32
    scf.for %scan3A_38 = %scan3A_23 to %scan3A_25 step %scan3A_26  : i32 {
      %mul3A_39 = arith.constant 80 : i32
      %mul3A_40 = arith.muli %scan3A_38, %mul3A_39 : i32
      %add3A_41 = arith.addi %mul3A_21, %mul3A_40 : i32
      "tpu.region"() ({
        %run_scoped3A = tpu.sem_alloc : memref<!tpu.dma_semaphore, #tpu.memory_space<semaphore_mem>>
        %dma_start3A_46 = tpu.memref_slice %arg3[%add3A_41] : memref<320000xi32, #tpu.memory_space<hbm>> -> memref<80xi32, #tpu.memory_space<hbm>>
        %dma_start3A_47 = tpu.memref_slice %arg3[%add3A_41] : memref<320000xi32, #tpu.memory_space<hbm>> -> memref<80xi32, #tpu.memory_space<hbm>>
        tpu.enqueue_dma source(%dma_start3A_47 : memref<80xi32, #tpu.memory_space<hbm>>) target(%arg8 : memref<80xi32, #tpu.memory_space<vmem>>) target_semaphore(%run_scoped3A : memref<!tpu.dma_semaphore, #tpu.memory_space<semaphore_mem>>)
        %dma_wait3A_48 = tpu.memref_slice %arg3[%add3A_41] : memref<320000xi32, #tpu.memory_space<hbm>> -> memref<80xi32, #tpu.memory_space<hbm>>
        %dma_wait3A_49 = tpu.memref_slice %arg3[%add3A_41] : memref<320000xi32, #tpu.memory_space<hbm>> -> memref<80xi32, #tpu.memory_space<hbm>>
        tpu.wait_dma2 semaphore(%run_scoped3A : memref<!tpu.dma_semaphore, #tpu.memory_space<semaphore_mem>>) src(%dma_wait3A_49 : memref<80xi32, #tpu.memory_space<hbm>>) dst(%arg8 : memref<80xi32, #tpu.memory_space<vmem>>)
        tpu.yield
      }) : () -> ()
      "tpu.region"() ({
        %run_scoped3A = tpu.sem_alloc : memref<!tpu.dma_semaphore, #tpu.memory_space<semaphore_mem>>
        %dma_start3A_46 = tpu.memref_slice %arg4[%add3A_41] : memref<320000xi32, #tpu.memory_space<hbm>> -> memref<80xi32, #tpu.memory_space<hbm>>
        %dma_start3A_47 = tpu.memref_slice %arg4[%add3A_41] : memref<320000xi32, #tpu.memory_space<hbm>> -> memref<80xi32, #tpu.memory_space<hbm>>
        tpu.enqueue_dma source(%dma_start3A_47 : memref<80xi32, #tpu.memory_space<hbm>>) target(%arg9 : memref<80xi32, #tpu.memory_space<vmem>>) target_semaphore(%run_scoped3A : memref<!tpu.dma_semaphore, #tpu.memory_space<semaphore_mem>>)
        %dma_wait3A_48 = tpu.memref_slice %arg4[%add3A_41] : memref<320000xi32, #tpu.memory_space<hbm>> -> memref<80xi32, #tpu.memory_space<hbm>>
        %dma_wait3A_49 = tpu.memref_slice %arg4[%add3A_41] : memref<320000xi32, #tpu.memory_space<hbm>> -> memref<80xi32, #tpu.memory_space<hbm>>
        tpu.wait_dma2 semaphore(%run_scoped3A : memref<!tpu.dma_semaphore, #tpu.memory_space<semaphore_mem>>) src(%dma_wait3A_49 : memref<80xi32, #tpu.memory_space<hbm>>) dst(%arg9 : memref<80xi32, #tpu.memory_space<vmem>>)
        tpu.yield
      }) : () -> ()
      %dma_start3A = arith.constant 0 : i32
      %dma_start3A_42 = arith.constant 0 : i32
      %dma_start3A_43 = tpu.memref_slice %arg2[%dma_start3A, %dma_start3A_42] : memref<10000x128xf32, #tpu.memory_space<hbm>> -> memref<10000x128xf32, #tpu.memory_space<hbm>>
      tpu.enqueue_indirect_dma source(%dma_start3A_43 : memref<10000x128xf32, #tpu.memory_space<hbm>>) target(%arg7 : memref<80x128xf32, #tpu.memory_space<vmem>>) offsets(%arg8 : memref<80xi32, #tpu.memory_space<vmem>>) semaphore(%arg10 : memref<!tpu.dma_semaphore, #tpu.memory_space<semaphore_mem>>)
      %dma_wait3A = arith.constant 0 : i32
      %dma_wait3A_44 = arith.constant 0 : i32
      %dma_wait3A_45 = tpu.memref_slice %arg2[%dma_wait3A, %dma_wait3A_44] : memref<10000x128xf32, #tpu.memory_space<hbm>> -> memref<10000x128xf32, #tpu.memory_space<hbm>>
      tpu.wait_indirect_dma semaphore(%arg10 : memref<!tpu.dma_semaphore, #tpu.memory_space<semaphore_mem>>) src(%dma_wait3A_45 : memref<10000x128xf32, #tpu.memory_space<hbm>>) dst(%arg7 : memref<80x128xf32, #tpu.memory_space<vmem>>)
      "tpu.region"() ({
        %run_scoped3A = tpu.sem_alloc : memref<!tpu.dma_semaphore, #tpu.memory_space<semaphore_mem>>
        %dma_start3A_46 = arith.constant 0 : i32
        %dma_start3A_47 = arith.constant 0 : i32
        %dma_start3A_48 = tpu.memref_slice %arg6[%dma_start3A_46, %dma_start3A_47] : memref<10000x128xf32, #tpu.memory_space<vmem_shared>> -> memref<10000x128xf32, #tpu.memory_space<vmem_shared>>
        tpu.enqueue_indirect_dma source(%arg7 : memref<80x128xf32, #tpu.memory_space<vmem>>) target(%dma_start3A_48 : memref<10000x128xf32, #tpu.memory_space<vmem_shared>>) offsets(%arg9 : memref<80xi32, #tpu.memory_space<vmem>>) semaphore(%run_scoped3A : memref<!tpu.dma_semaphore, #tpu.memory_space<semaphore_mem>>) {add = true}
        %dma_wait3A_49 = arith.constant 0 : i32
        %dma_wait3A_50 = arith.constant 0 : i32
        %dma_wait3A_51 = tpu.memref_slice %arg6[%dma_wait3A_49, %dma_wait3A_50] : memref<10000x128xf32, #tpu.memory_space<vmem_shared>> -> memref<10000x128xf32, #tpu.memory_space<vmem_shared>>
        tpu.wait_indirect_dma semaphore(%run_scoped3A : memref<!tpu.dma_semaphore, #tpu.memory_space<semaphore_mem>>) src(%arg7 : memref<80x128xf32, #tpu.memory_space<vmem>>) dst(%dma_wait3A_51 : memref<10000x128xf32, #tpu.memory_space<vmem_shared>>)
        tpu.yield
      }) : () -> ()
    }
    %scan3A_27 = arith.constant 125 : i32
    %barrier3A_28 = arith.constant 0 : index
    tpu.barrier barrier_id(%barrier3A_28)
    %mul3A_29 = arith.constant 10000 : i32
    %mul3A_30 = arith.muli %arg0, %mul3A_29 : i32
    %lt3A_31 = arith.constant 15 : i32
    %lt3A_32 = arith.cmpi slt, %arg1, %lt3A_31 : i32
    %convert_element_type3A = arith.extui %lt3A_32 : i1 to i32
    %cond3A = arith.constant 0 : i32
    %cond3A_33 = arith.cmpi ne, %convert_element_type3A, %cond3A : i32
    scf.if %cond3A_33 {
      %mul3A_38 = arith.constant 640 : i32
      %mul3A_39 = arith.muli %arg1, %mul3A_38 : i32
      %mul3A_40 = arith.constant 640 : i32
      %mul3A_41 = arith.muli %arg1, %mul3A_40 : i32
      %add3A_42 = arith.addi %mul3A_30, %mul3A_41 : i32
      "tpu.region"() ({
        %run_scoped3A = tpu.sem_alloc : memref<!tpu.dma_semaphore, #tpu.memory_space<semaphore_mem>>
        %dma_start3A = arith.constant 0 : i32
        %dma_start3A_43 = tpu.memref_slice %arg5[%add3A_42, %dma_start3A] : memref<20000x128xf32, #tpu.memory_space<hbm>> -> memref<640x128xf32, #tpu.memory_space<hbm>>
        %dma_start3A_44 = arith.constant 0 : i32
        %dma_start3A_45 = tpu.memref_slice %arg6[%mul3A_39, %dma_start3A_44] : memref<10000x128xf32, #tpu.memory_space<vmem_shared>> -> memref<640x128xf32, #tpu.memory_space<vmem_shared>>
        tpu.enqueue_dma source(%dma_start3A_45 : memref<640x128xf32, #tpu.memory_space<vmem_shared>>) target(%dma_start3A_43 : memref<640x128xf32, #tpu.memory_space<hbm>>) target_semaphore(%run_scoped3A : memref<!tpu.dma_semaphore, #tpu.memory_space<semaphore_mem>>)
        %dma_wait3A = arith.constant 0 : i32
        %dma_wait3A_46 = tpu.memref_slice %arg5[%add3A_42, %dma_wait3A] : memref<20000x128xf32, #tpu.memory_space<hbm>> -> memref<640x128xf32, #tpu.memory_space<hbm>>
        %dma_wait3A_47 = arith.constant 0 : i32
        %dma_wait3A_48 = tpu.memref_slice %arg6[%mul3A_39, %dma_wait3A_47] : memref<10000x128xf32, #tpu.memory_space<vmem_shared>> -> memref<640x128xf32, #tpu.memory_space<vmem_shared>>
        tpu.wait_dma2 semaphore(%run_scoped3A : memref<!tpu.dma_semaphore, #tpu.memory_space<semaphore_mem>>) src(%dma_wait3A_48 : memref<640x128xf32, #tpu.memory_space<vmem_shared>>) dst(%dma_wait3A_46 : memref<640x128xf32, #tpu.memory_space<hbm>>)
        tpu.yield
      }) : () -> ()
    } else {
    }
    %eq3A = arith.constant 15 : i32
    %eq3A_34 = arith.cmpi eq, %arg1, %eq3A : i32
    %convert_element_type3A_35 = arith.extui %eq3A_34 : i1 to i32
    %cond3A_36 = arith.constant 0 : i32
    %cond3A_37 = arith.cmpi ne, %convert_element_type3A_35, %cond3A_36 : i32
    scf.if %cond3A_37 {
      %add3A_38 = arith.constant 9600 : i32
      %add3A_39 = arith.addi %mul3A_30, %add3A_38 : i32
      "tpu.region"() ({
        %run_scoped3A = tpu.sem_alloc : memref<!tpu.dma_semaphore, #tpu.memory_space<semaphore_mem>>
        %dma_start3A = arith.constant 0 : i32
        %dma_start3A_40 = tpu.memref_slice %arg5[%add3A_39, %dma_start3A] : memref<20000x128xf32, #tpu.memory_space<hbm>> -> memref<400x128xf32, #tpu.memory_space<hbm>>
        %dma_start3A_41 = arith.constant 9600 : i32
        %dma_start3A_42 = arith.constant 0 : i32
        %dma_start3A_43 = tpu.memref_slice %arg6[%dma_start3A_41, %dma_start3A_42] : memref<10000x128xf32, #tpu.memory_space<vmem_shared>> -> memref<400x128xf32, #tpu.memory_space<vmem_shared>>
        tpu.enqueue_dma source(%dma_start3A_43 : memref<400x128xf32, #tpu.memory_space<vmem_shared>>) target(%dma_start3A_40 : memref<400x128xf32, #tpu.memory_space<hbm>>) target_semaphore(%run_scoped3A : memref<!tpu.dma_semaphore, #tpu.memory_space<semaphore_mem>>)
        %dma_wait3A = arith.constant 0 : i32
        %dma_wait3A_44 = tpu.memref_slice %arg5[%add3A_39, %dma_wait3A] : memref<20000x128xf32, #tpu.memory_space<hbm>> -> memref<400x128xf32, #tpu.memory_space<hbm>>
        %dma_wait3A_45 = arith.constant 9600 : i32
        %dma_wait3A_46 = arith.constant 0 : i32
        %dma_wait3A_47 = tpu.memref_slice %arg6[%dma_wait3A_45, %dma_wait3A_46] : memref<10000x128xf32, #tpu.memory_space<vmem_shared>> -> memref<400x128xf32, #tpu.memory_space<vmem_shared>>
        tpu.wait_dma2 semaphore(%run_scoped3A : memref<!tpu.dma_semaphore, #tpu.memory_space<semaphore_mem>>) src(%dma_wait3A_47 : memref<400x128xf32, #tpu.memory_space<vmem_shared>>) dst(%dma_wait3A_44 : memref<400x128xf32, #tpu.memory_space<hbm>>)
        tpu.yield
      }) : () -> ()
    } else {
    }
    return
  }
}

#map = affine_map<(d0, d1) -> (0, 0)>
#map1 = affine_map<(d0, d1) -> (0)>
module attributes {stable_mosaic.version = 14 : i64} {
  func.func @body(%arg0: i32, %arg1: i32, %arg2: memref<10000x128xf32, #tpu.memory_space<hbm>>, %arg3: memref<320000xi32, #tpu.memory_space<hbm>>, %arg4: memref<320000xi32, #tpu.memory_space<hbm>>, %arg5: memref<20000x128xf32, #tpu.memory_space<hbm>>, %arg6: memref<10000x128xf32, #tpu.memory_space<vmem_shared>>, %arg7: memref<80x128xf32, #tpu.memory_space<vmem>>, %arg8: memref<80xi32, #tpu.memory_space<vmem>>, %arg9: memref<80xi32, #tpu.memory_space<vmem>>, %arg10: memref<!tpu.dma_semaphore, #tpu.memory_space<semaphore_mem>>) attributes {dimension_semantics = [#tpu.dimension_semantics<core_parallel>, #tpu.dimension_semantics<subcore_parallel>], iteration_bounds = array<i64: 2, 16>, scalar_prefetch = 0 : i64, scratch_operands = 5 : i64, tpu.core_type = #tpu.core_type<sc_vector_subcore>, window_params = [{transform_indices = #map}, {transform_indices = #map1}, {transform_indices = #map1}, {transform_indices = #map}]} {
    %broadcast_in_dim3A = arith.constant 0.000000e+00 : f32
    %broadcast_in_dim3A_0 = vector.broadcast %broadcast_in_dim3A : f32 to vector<16xf32>
    %scan3A = arith.constant 0 : i32
    %scan3A_1 = arith.constant 0 : i32
    %scan3A_2 = arith.constant 640 : i32
    %scan3A_3 = arith.addi %scan3A_1, %scan3A_2 : i32
    %scan3A_4 = arith.constant 1 : i32
    scf.for %scan3A_38 = %scan3A_1 to %scan3A_3 step %scan3A_4  : i32 {
      %jit3A_39 = arith.constant 8 : i32
      %div3A = arith.divsi %scan3A_38, %jit3A_39 : i32
      %sign3A = arith.constant 0 : i32
      %sign3A_40 = arith.cmpi sgt, %scan3A_38, %sign3A : i32
      %sign3A_41 = arith.extui %sign3A_40 : i1 to i32
      %sign3A_42 = arith.constant 0 : i32
      %sign3A_43 = arith.cmpi slt, %scan3A_38, %sign3A_42 : i32
      %sign3A_44 = arith.extui %sign3A_43 : i1 to i32
      %sign3A_45 = arith.subi %sign3A_41, %sign3A_44 : i32
      %sign3A_46 = arith.constant 0 : i32
      %sign3A_47 = arith.cmpi sgt, %jit3A_39, %sign3A_46 : i32
      %sign3A_48 = arith.extui %sign3A_47 : i1 to i32
      %sign3A_49 = arith.constant 0 : i32
      %sign3A_50 = arith.cmpi slt, %jit3A_39, %sign3A_49 : i32
      %sign3A_51 = arith.extui %sign3A_50 : i1 to i32
      %sign3A_52 = arith.subi %sign3A_48, %sign3A_51 : i32
      %ne3A = arith.cmpi ne, %sign3A_45, %sign3A_52 : i32
      %rem3A = arith.remsi %scan3A_38, %jit3A_39 : i32
      %ne3A_53 = arith.constant 0 : i32
      %ne3A_54 = arith.cmpi ne, %rem3A, %ne3A_53 : i32
      %and3A = arith.andi %ne3A, %ne3A_54 : i1
      %sub3A = arith.constant 1 : i32
      %sub3A_55 = arith.subi %div3A, %sub3A : i32
      %select_n3A_56 = arith.select %and3A, %sub3A_55, %div3A : i32
      %jit3A_57 = arith.constant 8 : i32
      %eq3A_58 = arith.constant 0 : i32
      %eq3A_59 = arith.cmpi eq, %jit3A_57, %eq3A_58 : i32
      %jit3A_60 = arith.constant 1 : i32
      %select_n3A_61 = arith.select %eq3A_59, %jit3A_60, %jit3A_57 : i32
      %rem3A_62 = arith.remsi %scan3A_38, %select_n3A_61 : i32
      %ne3A_63 = arith.constant 0 : i32
      %ne3A_64 = arith.cmpi ne, %rem3A_62, %ne3A_63 : i32
      %lt3A_65 = arith.constant 0 : i32
      %lt3A_66 = arith.cmpi slt, %rem3A_62, %lt3A_65 : i32
      %lt3A_67 = arith.constant 0 : i32
      %lt3A_68 = arith.cmpi slt, %select_n3A_61, %lt3A_67 : i32
      %ne3A_69 = arith.xori %lt3A_66, %lt3A_68 : i1
      %and3A_70 = arith.andi %ne3A_69, %ne3A_64 : i1
      %add3A_71 = arith.addi %rem3A_62, %select_n3A_61 : i32
      %select_n3A_72 = arith.select %and3A_70, %add3A_71, %rem3A_62 : i32
      %mul3A_73 = arith.constant 16 : i32
      %mul3A_74 = arith.muli %select_n3A_72, %mul3A_73 : i32
      %swap3A = arith.index_cast %select_n3A_56 : i32 to index
      %swap3A_75 = arith.index_cast %mul3A_74 : i32 to index
      %swap3A_76 = tpu.vector_load %arg7[%swap3A, %swap3A_75] {strides = array<i32>} : memref<80x128xf32, #tpu.memory_space<vmem>>, vector<1x16xf32>,
      %swap3A_77 = vector.shape_cast %swap3A_76 : vector<1x16xf32> to vector<16xf32>
      %swap3A_78 = vector.shape_cast %broadcast_in_dim3A_0 : vector<16xf32> to vector<1x16xf32>
      tpu.vector_store %arg7[%swap3A, %swap3A_75], %swap3A_78 {strides = array<i32>} : memref<80x128xf32, #tpu.memory_space<vmem>>, vector<1x16xf32>,
    }
    %scan3A_5 = arith.constant 640 : i32
    %mul3A = arith.constant 640 : i32
    %mul3A_6 = arith.muli %arg1, %mul3A : i32
    %lt3A = arith.constant 15 : i32
    %lt3A_7 = arith.cmpi slt, %arg1, %lt3A : i32
    %jit3A = arith.constant 8 : i32
    %jit3A_8 = arith.constant 5 : i32
    %select_n3A = arith.select %lt3A_7, %jit3A, %jit3A_8 : i32
    %while3A = arith.constant 0 : i32
    %while3A_9 = arith.constant 0 : i32
    %while3A_10 = arith.subi %select_n3A, %while3A_9 : i32
    %while3A_11 = arith.addi %while3A_9, %while3A_10 : i32
    %while3A_12 = arith.constant 1 : i32
    %while3A_13 = arith.divsi %while3A_10, %while3A_12 : i32
    %while3A_14 = arith.muli %while3A_13, %while3A_12 : i32
    %while3A_15 = arith.addi %while3A_9, %while3A_14 : i32
    %while3A_16 = arith.constant 1 : i32
    scf.for %while3A_38 = %while3A_9 to %while3A_15 step %while3A_16  : i32 {
      %mul3A_39 = arith.constant 80 : i32
      %mul3A_40 = arith.muli %while3A_38, %mul3A_39 : i32
      %add3A_41 = arith.addi %mul3A_6, %mul3A_40 : i32
      "tpu.region"() ({
        %run_scoped3A = tpu.sem_alloc : memref<!tpu.dma_semaphore, #tpu.memory_space<semaphore_mem>>
        %dma_start3A = arith.constant 0 : i32
        %dma_start3A_42 = tpu.memref_slice %arg6[%add3A_41, %dma_start3A] : memref<10000x128xf32, #tpu.memory_space<vmem_shared>> -> memref<80x128xf32, #tpu.memory_space<vmem_shared>>
        %dma_start3A_43 = arith.constant 0 : i32
        %dma_start3A_44 = tpu.memref_slice %arg6[%add3A_41, %dma_start3A_43] : memref<10000x128xf32, #tpu.memory_space<vmem_shared>> -> memref<80x128xf32, #tpu.memory_space<vmem_shared>>
        tpu.enqueue_dma source(%arg7 : memref<80x128xf32, #tpu.memory_space<vmem>>) target(%dma_start3A_44 : memref<80x128xf32, #tpu.memory_space<vmem_shared>>) target_semaphore(%run_scoped3A : memref<!tpu.dma_semaphore, #tpu.memory_space<semaphore_mem>>)
        %dma_wait3A = arith.constant 0 : i32
        %dma_wait3A_45 = tpu.memref_slice %arg6[%add3A_41, %dma_wait3A] : memref<10000x128xf32, #tpu.memory_space<vmem_shared>> -> memref<80x128xf32, #tpu.memory_space<vmem_shared>>
        %dma_wait3A_46 = arith.constant 0 : i32
        %dma_wait3A_47 = tpu.memref_slice %arg6[%add3A_41, %dma_wait3A_46] : memref<10000x128xf32, #tpu.memory_space<vmem_shared>> -> memref<80x128xf32, #tpu.memory_space<vmem_shared>>
        tpu.wait_dma2 semaphore(%run_scoped3A : memref<!tpu.dma_semaphore, #tpu.memory_space<semaphore_mem>>) src(%arg7 : memref<80x128xf32, #tpu.memory_space<vmem>>) dst(%dma_wait3A_47 : memref<80x128xf32, #tpu.memory_space<vmem_shared>>)
        tpu.yield
      }) : () -> ()
    }
    %while3A_17 = arith.constant 1 : i32
    scf.for %while3A_38 = %while3A_15 to %while3A_11 step %while3A_17  : i32 {
      %mul3A_39 = arith.constant 80 : i32
      %mul3A_40 = arith.muli %while3A_38, %mul3A_39 : i32
      %add3A_41 = arith.addi %mul3A_6, %mul3A_40 : i32
      "tpu.region"() ({
        %run_scoped3A = tpu.sem_alloc : memref<!tpu.dma_semaphore, #tpu.memory_space<semaphore_mem>>
        %dma_start3A = arith.constant 0 : i32
        %dma_start3A_42 = tpu.memref_slice %arg6[%add3A_41, %dma_start3A] : memref<10000x128xf32, #tpu.memory_space<vmem_shared>> -> memref<80x128xf32, #tpu.memory_space<vmem_shared>>
        %dma_start3A_43 = arith.constant 0 : i32
        %dma_start3A_44 = tpu.memref_slice %arg6[%add3A_41, %dma_start3A_43] : memref<10000x128xf32, #tpu.memory_space<vmem_shared>> -> memref<80x128xf32, #tpu.memory_space<vmem_shared>>
        tpu.enqueue_dma source(%arg7 : memref<80x128xf32, #tpu.memory_space<vmem>>) target(%dma_start3A_44 : memref<80x128xf32, #tpu.memory_space<vmem_shared>>) target_semaphore(%run_scoped3A : memref<!tpu.dma_semaphore, #tpu.memory_space<semaphore_mem>>)
        %dma_wait3A = arith.constant 0 : i32
        %dma_wait3A_45 = tpu.memref_slice %arg6[%add3A_41, %dma_wait3A] : memref<10000x128xf32, #tpu.memory_space<vmem_shared>> -> memref<80x128xf32, #tpu.memory_space<vmem_shared>>
        %dma_wait3A_46 = arith.constant 0 : i32
        %dma_wait3A_47 = tpu.memref_slice %arg6[%add3A_41, %dma_wait3A_46] : memref<10000x128xf32, #tpu.memory_space<vmem_shared>> -> memref<80x128xf32, #tpu.memory_space<vmem_shared>>
        tpu.wait_dma2 semaphore(%run_scoped3A : memref<!tpu.dma_semaphore, #tpu.memory_space<semaphore_mem>>) src(%arg7 : memref<80x128xf32, #tpu.memory_space<vmem>>) dst(%dma_wait3A_47 : memref<80x128xf32, #tpu.memory_space<vmem_shared>>)
        tpu.yield
      }) : () -> ()
    }
    %barrier3A = arith.constant 0 : index
    tpu.barrier barrier_id(%barrier3A)
    %mul3A_18 = arith.constant 16 : i32
    %mul3A_19 = arith.muli %arg0, %mul3A_18 : i32
    %add3A = arith.addi %mul3A_19, %arg1 : i32
    %mul3A_20 = arith.constant 10000 : i32
    %mul3A_21 = arith.muli %add3A, %mul3A_20 : i32
    %scan3A_22 = arith.constant 0 : i32
    %scan3A_23 = arith.constant 0 : i32
    %scan3A_24 = arith.constant 125 : i32
    %scan3A_25 = arith.addi %scan3A_23, %scan3A_24 : i32
    %scan3A_26 = arith.constant 1 : i32
    scf.for %scan3A_38 = %scan3A_23 to %scan3A_25 step %scan3A_26  : i32 {
      %mul3A_39 = arith.constant 80 : i32
      %mul3A_40 = arith.muli %scan3A_38, %mul3A_39 : i32
      %add3A_41 = arith.addi %mul3A_21, %mul3A_40 : i32
      "tpu.region"() ({
        %run_scoped3A = tpu.sem_alloc : memref<!tpu.dma_semaphore, #tpu.memory_space<semaphore_mem>>
        %dma_start3A_46 = tpu.memref_slice %arg3[%add3A_41] : memref<320000xi32, #tpu.memory_space<hbm>> -> memref<80xi32, #tpu.memory_space<hbm>>
        %dma_start3A_47 = tpu.memref_slice %arg3[%add3A_41] : memref<320000xi32, #tpu.memory_space<hbm>> -> memref<80xi32, #tpu.memory_space<hbm>>
        tpu.enqueue_dma source(%dma_start3A_47 : memref<80xi32, #tpu.memory_space<hbm>>) target(%arg8 : memref<80xi32, #tpu.memory_space<vmem>>) target_semaphore(%run_scoped3A : memref<!tpu.dma_semaphore, #tpu.memory_space<semaphore_mem>>)
        %dma_wait3A_48 = tpu.memref_slice %arg3[%add3A_41] : memref<320000xi32, #tpu.memory_space<hbm>> -> memref<80xi32, #tpu.memory_space<hbm>>
        %dma_wait3A_49 = tpu.memref_slice %arg3[%add3A_41] : memref<320000xi32, #tpu.memory_space<hbm>> -> memref<80xi32, #tpu.memory_space<hbm>>
        tpu.wait_dma2 semaphore(%run_scoped3A : memref<!tpu.dma_semaphore, #tpu.memory_space<semaphore_mem>>) src(%dma_wait3A_49 : memref<80xi32, #tpu.memory_space<hbm>>) dst(%arg8 : memref<80xi32, #tpu.memory_space<vmem>>)
        tpu.yield
      }) : () -> ()
      "tpu.region"() ({
        %run_scoped3A = tpu.sem_alloc : memref<!tpu.dma_semaphore, #tpu.memory_space<semaphore_mem>>
        %dma_start3A_46 = tpu.memref_slice %arg4[%add3A_41] : memref<320000xi32, #tpu.memory_space<hbm>> -> memref<80xi32, #tpu.memory_space<hbm>>
        %dma_start3A_47 = tpu.memref_slice %arg4[%add3A_41] : memref<320000xi32, #tpu.memory_space<hbm>> -> memref<80xi32, #tpu.memory_space<hbm>>
        tpu.enqueue_dma source(%dma_start3A_47 : memref<80xi32, #tpu.memory_space<hbm>>) target(%arg9 : memref<80xi32, #tpu.memory_space<vmem>>) target_semaphore(%run_scoped3A : memref<!tpu.dma_semaphore, #tpu.memory_space<semaphore_mem>>)
        %dma_wait3A_48 = tpu.memref_slice %arg4[%add3A_41] : memref<320000xi32, #tpu.memory_space<hbm>> -> memref<80xi32, #tpu.memory_space<hbm>>
        %dma_wait3A_49 = tpu.memref_slice %arg4[%add3A_41] : memref<320000xi32, #tpu.memory_space<hbm>> -> memref<80xi32, #tpu.memory_space<hbm>>
        tpu.wait_dma2 semaphore(%run_scoped3A : memref<!tpu.dma_semaphore, #tpu.memory_space<semaphore_mem>>) src(%dma_wait3A_49 : memref<80xi32, #tpu.memory_space<hbm>>) dst(%arg9 : memref<80xi32, #tpu.memory_space<vmem>>)
        tpu.yield
      }) : () -> ()
      %dma_start3A = arith.constant 0 : i32
      %dma_start3A_42 = arith.constant 0 : i32
      %dma_start3A_43 = tpu.memref_slice %arg2[%dma_start3A, %dma_start3A_42] : memref<10000x128xf32, #tpu.memory_space<hbm>> -> memref<10000x128xf32, #tpu.memory_space<hbm>>
      tpu.enqueue_indirect_dma source(%dma_start3A_43 : memref<10000x128xf32, #tpu.memory_space<hbm>>) target(%arg7 : memref<80x128xf32, #tpu.memory_space<vmem>>) offsets(%arg8 : memref<80xi32, #tpu.memory_space<vmem>>) semaphore(%arg10 : memref<!tpu.dma_semaphore, #tpu.memory_space<semaphore_mem>>)
      %dma_wait3A = arith.constant 0 : i32
      %dma_wait3A_44 = arith.constant 0 : i32
      %dma_wait3A_45 = tpu.memref_slice %arg2[%dma_wait3A, %dma_wait3A_44] : memref<10000x128xf32, #tpu.memory_space<hbm>> -> memref<10000x128xf32, #tpu.memory_space<hbm>>
      tpu.wait_indirect_dma semaphore(%arg10 : memref<!tpu.dma_semaphore, #tpu.memory_space<semaphore_mem>>) src(%dma_wait3A_45 : memref<10000x128xf32, #tpu.memory_space<hbm>>) dst(%arg7 : memref<80x128xf32, #tpu.memory_space<vmem>>)
      "tpu.region"() ({
        %run_scoped3A = tpu.sem_alloc : memref<!tpu.dma_semaphore, #tpu.memory_space<semaphore_mem>>
        %dma_start3A_46 = arith.constant 0 : i32
        %dma_start3A_47 = arith.constant 0 : i32
        %dma_start3A_48 = tpu.memref_slice %arg6[%dma_start3A_46, %dma_start3A_47] : memref<10000x128xf32, #tpu.memory_space<vmem_shared>> -> memref<10000x128xf32, #tpu.memory_space<vmem_shared>>
        tpu.enqueue_indirect_dma source(%arg7 : memref<80x128xf32, #tpu.memory_space<vmem>>) target(%dma_start3A_48 : memref<10000x128xf32, #tpu.memory_space<vmem_shared>>) offsets(%arg9 : memref<80xi32, #tpu.memory_space<vmem>>) semaphore(%run_scoped3A : memref<!tpu.dma_semaphore, #tpu.memory_space<semaphore_mem>>) {add = true}
        %dma_wait3A_49 = arith.constant 0 : i32
        %dma_wait3A_50 = arith.constant 0 : i32
        %dma_wait3A_51 = tpu.memref_slice %arg6[%dma_wait3A_49, %dma_wait3A_50] : memref<10000x128xf32, #tpu.memory_space<vmem_shared>> -> memref<10000x128xf32, #tpu.memory_space<vmem_shared>>
        tpu.wait_indirect_dma semaphore(%run_scoped3A : memref<!tpu.dma_semaphore, #tpu.memory_space<semaphore_mem>>) src(%arg7 : memref<80x128xf32, #tpu.memory_space<vmem>>) dst(%dma_wait3A_51 : memref<10000x128xf32, #tpu.memory_space<vmem_shared>>)
        tpu.yield
      }) : () -> ()
    }
    %scan3A_27 = arith.constant 125 : i32
    %barrier3A_28 = arith.constant 0 : index
    tpu.barrier barrier_id(%barrier3A_28)
    %mul3A_29 = arith.constant 10000 : i32
    %mul3A_30 = arith.muli %arg0, %mul3A_29 : i32
    %lt3A_31 = arith.constant 15 : i32
    %lt3A_32 = arith.cmpi slt, %arg1, %lt3A_31 : i32
    %convert_element_type3A = arith.extui %lt3A_32 : i1 to i32
    %cond3A = arith.constant 0 : i32
    %cond3A_33 = arith.cmpi ne, %convert_element_type3A, %cond3A : i32
    scf.if %cond3A_33 {
      %mul3A_38 = arith.constant 640 : i32
      %mul3A_39 = arith.muli %arg1, %mul3A_38 : i32
      %mul3A_40 = arith.constant 640 : i32
      %mul3A_41 = arith.muli %arg1, %mul3A_40 : i32
      %add3A_42 = arith.addi %mul3A_30, %mul3A_41 : i32
      "tpu.region"() ({
        %run_scoped3A = tpu.sem_alloc : memref<!tpu.dma_semaphore, #tpu.memory_space<semaphore_mem>>
        %dma_start3A = arith.constant 0 : i32
        %dma_start3A_43 = tpu.memref_slice %arg5[%add3A_42, %dma_start3A] : memref<20000x128xf32, #tpu.memory_space<hbm>> -> memref<640x128xf32, #tpu.memory_space<hbm>>
        %dma_start3A_44 = arith.constant 0 : i32
        %dma_start3A_45 = tpu.memref_slice %arg6[%mul3A_39, %dma_start3A_44] : memref<10000x128xf32, #tpu.memory_space<vmem_shared>> -> memref<640x128xf32, #tpu.memory_space<vmem_shared>>
        tpu.enqueue_dma source(%dma_start3A_45 : memref<640x128xf32, #tpu.memory_space<vmem_shared>>) target(%dma_start3A_43 : memref<640x128xf32, #tpu.memory_space<hbm>>) target_semaphore(%run_scoped3A : memref<!tpu.dma_semaphore, #tpu.memory_space<semaphore_mem>>)
        %dma_wait3A = arith.constant 0 : i32
        %dma_wait3A_46 = tpu.memref_slice %arg5[%add3A_42, %dma_wait3A] : memref<20000x128xf32, #tpu.memory_space<hbm>> -> memref<640x128xf32, #tpu.memory_space<hbm>>
        %dma_wait3A_47 = arith.constant 0 : i32
        %dma_wait3A_48 = tpu.memref_slice %arg6[%mul3A_39, %dma_wait3A_47] : memref<10000x128xf32, #tpu.memory_space<vmem_shared>> -> memref<640x128xf32, #tpu.memory_space<vmem_shared>>
        tpu.wait_dma2 semaphore(%run_scoped3A : memref<!tpu.dma_semaphore, #tpu.memory_space<semaphore_mem>>) src(%dma_wait3A_48 : memref<640x128xf32, #tpu.memory_space<vmem_shared>>) dst(%dma_wait3A_46 : memref<640x128xf32, #tpu.memory_space<hbm>>)
        tpu.yield
      }) : () -> ()
    } else {
    }
    %eq3A = arith.constant 15 : i32
    %eq3A_34 = arith.cmpi eq, %arg1, %eq3A : i32
    %convert_element_type3A_35 = arith.extui %eq3A_34 : i1 to i32
    %cond3A_36 = arith.constant 0 : i32
    %cond3A_37 = arith.cmpi ne, %convert_element_type3A_35, %cond3A_36 : i32
    scf.if %cond3A_37 {
      %add3A_38 = arith.constant 9600 : i32
      %add3A_39 = arith.addi %mul3A_30, %add3A_38 : i32
      "tpu.region"() ({
        %run_scoped3A = tpu.sem_alloc : memref<!tpu.dma_semaphore, #tpu.memory_space<semaphore_mem>>
        %dma_start3A = arith.constant 0 : i32
        %dma_start3A_40 = tpu.memref_slice %arg5[%add3A_39, %dma_start3A] : memref<20000x128xf32, #tpu.memory_space<hbm>> -> memref<400x128xf32, #tpu.memory_space<hbm>>
        %dma_start3A_41 = arith.constant 9600 : i32
        %dma_start3A_42 = arith.constant 0 : i32
        %dma_start3A_43 = tpu.memref_slice %arg6[%dma_start3A_41, %dma_start3A_42] : memref<10000x128xf32, #tpu.memory_space<vmem_shared>> -> memref<400x128xf32, #tpu.memory_space<vmem_shared>>
        tpu.enqueue_dma source(%dma_start3A_43 : memref<400x128xf32, #tpu.memory_space<vmem_shared>>) target(%dma_start3A_40 : memref<400x128xf32, #tpu.memory_space<hbm>>) target_semaphore(%run_scoped3A : memref<!tpu.dma_semaphore, #tpu.memory_space<semaphore_mem>>)
        %dma_wait3A = arith.constant 0 : i32
        %dma_wait3A_44 = tpu.memref_slice %arg5[%add3A_39, %dma_wait3A] : memref<20000x128xf32, #tpu.memory_space<hbm>> -> memref<400x128xf32, #tpu.memory_space<hbm>>
        %dma_wait3A_45 = arith.constant 9600 : i32
        %dma_wait3A_46 = arith.constant 0 : i32
        %dma_wait3A_47 = tpu.memref_slice %arg6[%dma_wait3A_45, %dma_wait3A_46] : memref<10000x128xf32, #tpu.memory_space<vmem_shared>> -> memref<400x128xf32, #tpu.memory_space<vmem_shared>>
        tpu.wait_dma2 semaphore(%run_scoped3A : memref<!tpu.dma_semaphore, #tpu.memory_space<semaphore_mem>>) src(%dma_wait3A_47 : memref<400x128xf32, #tpu.memory_space<vmem_shared>>) dst(%dma_wait3A_44 : memref<400x128xf32, #tpu.memory_space<hbm>>)
        tpu.yield
      }) : () -> ()
    } else {
    }
    return
  }
}

module attributes {stable_mosaic.version = 14 : i64} {
  func.func @body(%arg0: memref<10000x128xf32, #tpu.memory_space<vmem>>, %arg1: memref<20000x128xf32, #tpu.memory_space<vmem>>, %arg2: memref<20000x16xf32, #tpu.memory_space<vmem>>, %arg3: memref<128x128xf32, #tpu.memory_space<vmem>>, %arg4: memref<128x128xf32, #tpu.memory_space<vmem>>, %arg5: memref<128xf32, #tpu.memory_space<vmem>>, %arg6: memref<10000x128xf32, #tpu.memory_space<vmem>>) attributes {dimension_semantics = [], scalar_prefetch = 0 : i64, scratch_operands = 0 : i64, tpu.core_type = #tpu.core_type<tc>} {
    %get3A = arith.constant 0 : index
    %get3A_0 = arith.constant 0 : index
    %get3A_1 = vector.load %arg1[%get3A, %get3A_0] : memref<20000x128xf32, #tpu.memory_space<vmem>>, vector<10000x128xf32>
    %get3A_2 = arith.constant 10000 : index
    %get3A_3 = arith.constant 0 : index
    %get3A_4 = vector.load %arg1[%get3A_2, %get3A_3] : memref<20000x128xf32, #tpu.memory_space<vmem>>, vector<10000x128xf32>
    %add3A = arith.addf %get3A_1, %get3A_4 : vector<10000x128xf32>
    %get3A_5 = arith.constant 0 : index
    %get3A_6 = arith.constant 0 : index
    %get3A_7 = vector.load %arg2[%get3A_5, %get3A_6] : memref<20000x16xf32, #tpu.memory_space<vmem>>, vector<10000x16xf32>
    %get3A_8 = arith.constant 10000 : index
    %get3A_9 = arith.constant 0 : index
    %get3A_10 = vector.load %arg2[%get3A_8, %get3A_9] : memref<20000x16xf32, #tpu.memory_space<vmem>>, vector<10000x16xf32>
    %add3A_11 = arith.addf %get3A_7, %get3A_10 : vector<10000x16xf32>
    %slice3A = vector.extract_strided_slice %add3A_11 {offsets = [0, 0], sizes = [10000, 1], strides = [1, 1]} : vector<10000x16xf32> to vector<10000x1xf32>
    %max3A = arith.constant 1.000000e+00 : f32
    %max3A_12 = vector.broadcast %max3A : f32 to vector<10000x1xf32>
    %max3A_13 = arith.maximumf %slice3A, %max3A_12 : vector<10000x1xf32>
    %div3A = arith.constant 1.000000e+00 : f32
    %div3A_14 = vector.broadcast %div3A : f32 to vector<10000x1xf32>
    %div3A_15 = arith.divf %div3A_14, %max3A_13 : vector<10000x1xf32>
    %mul3A = vector.broadcast %div3A_15 : vector<10000x1xf32> to vector<10000x128xf32>
    %mul3A_16 = arith.mulf %add3A, %mul3A : vector<10000x128xf32>
    %get3A_17 = arith.constant 0 : index
    %get3A_18 = arith.constant 0 : index
    %get3A_19 = vector.load %arg0[%get3A_17, %get3A_18] : memref<10000x128xf32, #tpu.memory_space<vmem>>, vector<10000x128xf32>
    %get3A_20 = arith.constant 0 : index
    %get3A_21 = arith.constant 0 : index
    %get3A_22 = vector.load %arg3[%get3A_20, %get3A_21] : memref<128x128xf32, #tpu.memory_space<vmem>>, vector<128x128xf32>
    %dot_general3A = arith.constant dense<0.000000e+00> : vector<10000x128xf32>
    %dot_general3A_23 = tpu.matmul %get3A_19, %get3A_22, %dot_general3A {dimension_numbers = #tpu.dot_dimension_numbers<[1], [0], [0], [1], [0, 0, 1, 1], [], []>, transpose_lhs_hint = false} : vector<10000x128xf32>, vector<128x128xf32>, vector<10000x128xf32> -> vector<10000x128xf32>
    %get3A_24 = arith.constant 0 : index
    %get3A_25 = arith.constant 0 : index
    %get3A_26 = vector.load %arg4[%get3A_24, %get3A_25] : memref<128x128xf32, #tpu.memory_space<vmem>>, vector<128x128xf32>
    %dot_general3A_27 = arith.constant dense<0.000000e+00> : vector<10000x128xf32>
    %dot_general3A_28 = tpu.matmul %mul3A_16, %get3A_26, %dot_general3A_27 {dimension_numbers = #tpu.dot_dimension_numbers<[1], [0], [0], [1], [0, 0, 1, 1], [], []>, transpose_lhs_hint = false} : vector<10000x128xf32>, vector<128x128xf32>, vector<10000x128xf32> -> vector<10000x128xf32>
    %add3A_29 = arith.addf %dot_general3A_23, %dot_general3A_28 : vector<10000x128xf32>
    %get3A_30 = arith.constant 0 : index
    %get3A_31 = vector.load %arg5[%get3A_30] : memref<128xf32, #tpu.memory_space<vmem>>, vector<128xf32>
    %broadcast_in_dim3A = vector.shape_cast %get3A_31 : vector<128xf32> to vector<1x128xf32>
    %add3A_32 = vector.broadcast %broadcast_in_dim3A : vector<1x128xf32> to vector<10000x128xf32>
    %add3A_33 = arith.addf %add3A_29, %add3A_32 : vector<10000x128xf32>
    %mul3A_34 = arith.mulf %add3A_33, %add3A_33 : vector<10000x128xf32>
    %reduce_sum3A = arith.constant dense<0.000000e+00> : vector<10000xf32>
    %reduce_sum3A_35 = vector.multi_reduction <add>, %mul3A_34, %reduce_sum3A [1] : vector<10000x128xf32> to vector<10000xf32>
    %broadcast_in_dim3A_36 = vector.shape_cast %reduce_sum3A_35 : vector<10000xf32> to vector<10000x1xf32>
    %sqrt3A = math.sqrt %broadcast_in_dim3A_36 : vector<10000x1xf32>
    %max3A_37 = arith.constant 9.99999996E-13 : f32
    %max3A_38 = vector.broadcast %max3A_37 : f32 to vector<10000x1xf32>
    %max3A_39 = arith.maximumf %sqrt3A, %max3A_38 : vector<10000x1xf32>
    %div3A_40 = vector.broadcast %max3A_39 : vector<10000x1xf32> to vector<10000x128xf32>
    %div3A_41 = arith.divf %add3A_33, %div3A_40 : vector<10000x128xf32>
    %max3A_42 = arith.constant 0.000000e+00 : f32
    %max3A_43 = vector.broadcast %max3A_42 : f32 to vector<10000x128xf32>
    %max3A_44 = arith.maximumf %div3A_41, %max3A_43 : vector<10000x128xf32>
    %swap3A = arith.constant 0 : index
    %swap3A_45 = arith.constant 0 : index
    %swap3A_46 = vector.load %arg6[%swap3A, %swap3A_45] : memref<10000x128xf32, #tpu.memory_space<vmem>>, vector<10000x128xf32>
    tpu.vector_store %arg6[%swap3A, %swap3A_45], %max3A_44 {strides = array<i32>} : memref<10000x128xf32, #tpu.memory_space<vmem>>, vector<10000x128xf32>,
    return
  }
}

module attributes {stable_mosaic.version = 14 : i64} {
  func.func @body(%arg0: memref<10000x128xf32, #tpu.memory_space<vmem>>, %arg1: memref<20000x128xf32, #tpu.memory_space<vmem>>, %arg2: memref<20000x16xf32, #tpu.memory_space<vmem>>, %arg3: memref<128x128xf32, #tpu.memory_space<vmem>>, %arg4: memref<128x128xf32, #tpu.memory_space<vmem>>, %arg5: memref<128xf32, #tpu.memory_space<vmem>>, %arg6: memref<10000x128xf32, #tpu.memory_space<vmem>>) attributes {dimension_semantics = [], scalar_prefetch = 0 : i64, scratch_operands = 0 : i64, tpu.core_type = #tpu.core_type<tc>} {
    %get3A = arith.constant 0 : index
    %get3A_0 = arith.constant 0 : index
    %get3A_1 = vector.load %arg1[%get3A, %get3A_0] : memref<20000x128xf32, #tpu.memory_space<vmem>>, vector<10000x128xf32>
    %get3A_2 = arith.constant 10000 : index
    %get3A_3 = arith.constant 0 : index
    %get3A_4 = vector.load %arg1[%get3A_2, %get3A_3] : memref<20000x128xf32, #tpu.memory_space<vmem>>, vector<10000x128xf32>
    %add3A = arith.addf %get3A_1, %get3A_4 : vector<10000x128xf32>
    %get3A_5 = arith.constant 0 : index
    %get3A_6 = arith.constant 0 : index
    %get3A_7 = vector.load %arg2[%get3A_5, %get3A_6] : memref<20000x16xf32, #tpu.memory_space<vmem>>, vector<10000x16xf32>
    %get3A_8 = arith.constant 10000 : index
    %get3A_9 = arith.constant 0 : index
    %get3A_10 = vector.load %arg2[%get3A_8, %get3A_9] : memref<20000x16xf32, #tpu.memory_space<vmem>>, vector<10000x16xf32>
    %add3A_11 = arith.addf %get3A_7, %get3A_10 : vector<10000x16xf32>
    %slice3A = vector.extract_strided_slice %add3A_11 {offsets = [0, 0], sizes = [10000, 1], strides = [1, 1]} : vector<10000x16xf32> to vector<10000x1xf32>
    %max3A = arith.constant 1.000000e+00 : f32
    %max3A_12 = vector.broadcast %max3A : f32 to vector<10000x1xf32>
    %max3A_13 = arith.maximumf %slice3A, %max3A_12 : vector<10000x1xf32>
    %div3A = arith.constant 1.000000e+00 : f32
    %div3A_14 = vector.broadcast %div3A : f32 to vector<10000x1xf32>
    %div3A_15 = arith.divf %div3A_14, %max3A_13 : vector<10000x1xf32>
    %mul3A = vector.broadcast %div3A_15 : vector<10000x1xf32> to vector<10000x128xf32>
    %mul3A_16 = arith.mulf %add3A, %mul3A : vector<10000x128xf32>
    %get3A_17 = arith.constant 0 : index
    %get3A_18 = arith.constant 0 : index
    %get3A_19 = vector.load %arg0[%get3A_17, %get3A_18] : memref<10000x128xf32, #tpu.memory_space<vmem>>, vector<10000x128xf32>
    %get3A_20 = arith.constant 0 : index
    %get3A_21 = arith.constant 0 : index
    %get3A_22 = vector.load %arg3[%get3A_20, %get3A_21] : memref<128x128xf32, #tpu.memory_space<vmem>>, vector<128x128xf32>
    %dot_general3A = arith.constant dense<0.000000e+00> : vector<10000x128xf32>
    %dot_general3A_23 = tpu.matmul %get3A_19, %get3A_22, %dot_general3A {dimension_numbers = #tpu.dot_dimension_numbers<[1], [0], [0], [1], [0, 0, 1, 1], [], []>, transpose_lhs_hint = false} : vector<10000x128xf32>, vector<128x128xf32>, vector<10000x128xf32> -> vector<10000x128xf32>
    %get3A_24 = arith.constant 0 : index
    %get3A_25 = arith.constant 0 : index
    %get3A_26 = vector.load %arg4[%get3A_24, %get3A_25] : memref<128x128xf32, #tpu.memory_space<vmem>>, vector<128x128xf32>
    %dot_general3A_27 = arith.constant dense<0.000000e+00> : vector<10000x128xf32>
    %dot_general3A_28 = tpu.matmul %mul3A_16, %get3A_26, %dot_general3A_27 {dimension_numbers = #tpu.dot_dimension_numbers<[1], [0], [0], [1], [0, 0, 1, 1], [], []>, transpose_lhs_hint = false} : vector<10000x128xf32>, vector<128x128xf32>, vector<10000x128xf32> -> vector<10000x128xf32>
    %add3A_29 = arith.addf %dot_general3A_23, %dot_general3A_28 : vector<10000x128xf32>
    %get3A_30 = arith.constant 0 : index
    %get3A_31 = vector.load %arg5[%get3A_30] : memref<128xf32, #tpu.memory_space<vmem>>, vector<128xf32>
    %broadcast_in_dim3A = vector.shape_cast %get3A_31 : vector<128xf32> to vector<1x128xf32>
    %add3A_32 = vector.broadcast %broadcast_in_dim3A : vector<1x128xf32> to vector<10000x128xf32>
    %add3A_33 = arith.addf %add3A_29, %add3A_32 : vector<10000x128xf32>
    %mul3A_34 = arith.mulf %add3A_33, %add3A_33 : vector<10000x128xf32>
    %reduce_sum3A = arith.constant dense<0.000000e+00> : vector<10000xf32>
    %reduce_sum3A_35 = vector.multi_reduction <add>, %mul3A_34, %reduce_sum3A [1] : vector<10000x128xf32> to vector<10000xf32>
    %broadcast_in_dim3A_36 = vector.shape_cast %reduce_sum3A_35 : vector<10000xf32> to vector<10000x1xf32>
    %sqrt3A = math.sqrt %broadcast_in_dim3A_36 : vector<10000x1xf32>
    %max3A_37 = arith.constant 9.99999996E-13 : f32
    %max3A_38 = vector.broadcast %max3A_37 : f32 to vector<10000x1xf32>
    %max3A_39 = arith.maximumf %sqrt3A, %max3A_38 : vector<10000x1xf32>
    %div3A_40 = vector.broadcast %max3A_39 : vector<10000x1xf32> to vector<10000x128xf32>
    %div3A_41 = arith.divf %add3A_33, %div3A_40 : vector<10000x128xf32>
    %max3A_42 = arith.constant 0.000000e+00 : f32
    %max3A_43 = vector.broadcast %max3A_42 : f32 to vector<10000x128xf32>
    %max3A_44 = arith.maximumf %div3A_41, %max3A_43 : vector<10000x128xf32>
    %swap3A = arith.constant 0 : index
    %swap3A_45 = arith.constant 0 : index
    %swap3A_46 = vector.load %arg6[%swap3A, %swap3A_45] : memref<10000x128xf32, #tpu.memory_space<vmem>>, vector<10000x128xf32>
    tpu.vector_store %arg6[%swap3A, %swap3A_45], %max3A_44 {strides = array<i32>} : memref<10000x128xf32, #tpu.memory_space<vmem>>, vector<10000x128xf32>,
    return
  }
}

</mosaic_0001>

<sc_bundles>
// kernel: kernel.11.cloned.1.call-start
scs
__scs_entry_jumppad:
0x0: {  	(pc) =	sbr.rel $0x88, $3  }
0x1: {  	(tag) =	ssettag $0x0;
	lr =	simm.s32 $0x1  }
0x2: {  	[smem:$0x3F9C] =	sst lr;
	_ =	strace $0xD0000000  }
0x3: {  	_ = 	snop  }
0x4: {  	_ = 	snop  }
0x5: {  	_ = 	snop  }
0x6: {  	_ = 	snop  }
0x7: {  	_ = 	snop  }
__scs_overlays_trampoline_lowered:
0x8: {  	[smem:$0x3FAB] =	sst s0  }
0x9: {  	[smem:$0x3FAC] =	sst s1  }
0xa: {  	[smem:$0x3FAD] =	sst s2  }
0xb: {  	[smem:$0x3FAE] =	sst s3  }
0xc: {  	[smem:$0x3FAF] =	sst s4  }
0xd: {  	[smem:$0x3FB0] =	sst s5  }
0xe: {  	[smem:$0x3FB1] =	sst s6  }
0xf: {  	[smem:$0x3FB2] =	sst s7  }
0x10: {  	[smem:$0x3FB3] =	sst s8  }
0x11: {  	[smem:$0x3FB4] =	sst s9;
	s0 =	simm.s32 @!p0 $0x0  }
0x12: {  	s1 =	sld [smem:$0x3F9A];
	s0 =	simm.s32 @p0 $0x1  }
0x13: {  	[smem:$0x3FB5] =	sst s0;
	s0 =	simm.s32 @!p1 $0x0  }
0x14: {  	s2 =	sld [smem:$0x3F99];
	s0 =	simm.s32 @p1 $0x1  }
0x15: {  	[smem:$0x3FB6] =	sst s0;
	s0 =	simm.s32 @!p2 $0x0  }
0x16: {  	s3 =	sld [smem:$0x3FDB];
	s0 =	simm.s32 @p2 $0x1  }
0x17: {  	s4 =	simm.s32 $0x1BF5;
	[smem:$0x3FB8] =	sst s0  }
0x18: {  	s0 =	sld [smem:$0x3F9B];
	_ =	swait.ge [sflag:s4], $0x0  }
0x19: {  	s7 =	sld [smem:$0x3F9C]  }
0x1a: {  	s8 =	sadd.s32 $0xFFFFE003, lr  }
0x1b: {  	s9 =	sadd.s32 $0xFFFFFEF7, lr;
	s5 =	simm.s32 $0xFFFFFFFF;
	p2 =	slt.u32 s8, $0xFFFFF086  }
0x1c: {  	p1 =	slt.u32 s9, $0xF7A;
	s5 =	simm.s32 @!p2 $0x0  }
0x1d: {  	s5 =	simm.s32 @p1 $0x1;
	p0 =	seq.s32 s7, s2  }
0x1e: {  	s7 =	smul.u32 @!p0 $0xF7A, s2;
	p2 =	seq.s32 @!p0 s5, $0x0  }
0x1f: {  	s9 =	smul.u32 $0xF7A, s1;
	s8 =	simm.s32 @!p0 $0x1BF5;
	p2 =	por !p2, p0  }
0x20: {  	[sflag:s8] =	ssyncset.s32 @!p0 $0xFFFFF086;
	s6 =	sadd.s32 @!p0 s3, s7;
	s7 =	simm.s32 @!p0 $0x108  }
0x21: {  	s3 =	sadd.s32 s3, s9;
	s6 =	sadd.s32 @!p0 $0x88, s6;
	s7 =	simm.s32 @p2 $0x1082  }
0x22: {  	[simem:s7], [sflag:s8] =	dma.local @!p0 [hbm:s6], $0xF7A  }
0x23: {  	s9 =	sor.u32 $0xD0000000, s2;
	s6 =	simm.s32 $0x108;
	_ =	swait.ge @!p0 [sflag:s8], $0x0  }
0x24: {  	s3 =	sadd.s32 $0x88, s3;
	s6 =	simm.s32 @!p1 $0x1082;
	[sflag:s4] =	ssyncset.s32 $0xFFFFF086  }
0x25: {  	[simem:s6], [sflag:s4] =	dma.local [hbm:s3], $0xF7A  }
0x26: {  	[smem:$0x3F9C] =	sst s1;
	(tag) =	ssettag s2;
	_ =	strace s9  }
0x27: {  	s1 =	sld [smem:$0x3FAC]  }
0x28: {  	s2 =	sld [smem:$0x3FAD]  }
0x29: {  	s4 =	sld [smem:$0x3FAF]  }
0x2a: {  	p0 =	seq.s32 s5, $0x0;
	s5 =	sld [smem:$0x3FB0]  }
0x2b: {  	s6 =	sld [smem:$0x3FB1]  }
0x2c: {  	s7 =	sld [smem:$0x3FB2]  }
0x2d: {  	s3 =	simm.s32 $0x108;
	s8 =	sld [smem:$0x3FB3]  }
0x2e: {  	s3 =	simm.s32 @!p0 $0x1082;
	s9 =	sld [smem:$0x3FB4]  }
0x2f: {  	lr =	sadd.s32 s0, s3;
	s0 =	sld [smem:$0x3FAB]  }
0x30: {  	s3 =	sld [smem:$0x3FAE]  }
0x31: {  	[smem:$0x3FB7] =	sst s10  }
0x32: {  	s10 =	sld [smem:$0x3FB5];
	_ =	sdelay $0x3  }
0x33: {  	p0 =	seq.s32 s10, $0x1;
	s10 =	sld [smem:$0x3FB7];
	_ =	sdelay $0x3  }
0x34: {  	[smem:$0x3FB7] =	sst s10  }
0x35: {  	s10 =	sld [smem:$0x3FB6];
	_ =	sdelay $0x3  }
0x36: {  	p1 =	seq.s32 s10, $0x1;
	s10 =	sld [smem:$0x3FB7];
	_ =	sdelay $0x3  }
0x37: {  	[smem:$0x3FB7] =	sst s10  }
0x38: {  	s10 =	sld [smem:$0x3FB8]  }
0x39: {  	_ = 	snop;
	(pc) =	sbr.ind lr, $3  }
0x3a: {  	_ = 	snop  }
0x3b: {  	_ = 	snop  }
0x3c: {  	p2 =	seq.s32 s10, $0x1;
	s10 =	sld [smem:$0x3FB7]  }
0x3d: {  	_ =	shalt  }
0x3e: {  	_ =	shalt  }
0x3f: {  	_ =	shalt  }
0x40: {  	_ =	shalt  }
0x41: {  	_ =	shalt  }
0x42: {  	_ =	shalt  }
0x43: {  	_ =	shalt  }
0x44: {  	_ =	shalt  }
0x45: {  	_ =	shalt  }
0x46: {  	_ =	shalt  }
0x47: {  	_ =	shalt  }
0x48: {  	_ =	shalt  }
0x49: {  	_ =	shalt  }
0x4a: {  	_ =	shalt  }
0x4b: {  	_ =	shalt  }
0x4c: {  	_ =	shalt  }
0x4d: {  	_ =	shalt  }
0x4e: {  	_ =	shalt  }
0x4f: {  	_ =	shalt  }
0x50: {  	_ =	shalt  }
0x51: {  	_ =	shalt  }
0x52: {  	_ =	shalt  }
0x53: {  	_ =	shalt  }
0x54: {  	_ =	shalt  }
0x55: {  	_ =	shalt  }
0x56: {  	_ =	shalt  }
0x57: {  	_ =	shalt  }
0x58: {  	_ =	shalt  }
0x59: {  	_ =	shalt  }
0x5a: {  	_ =	shalt  }
0x5b: {  	_ =	shalt  }
0x5c: {  	_ =	shalt  }
0x5d: {  	_ =	shalt  }
0x5e: {  	_ =	shalt  }
0x5f: {  	_ =	shalt  }
0x60: {  	_ =	shalt  }
0x61: {  	_ =	shalt  }
0x62: {  	_ =	shalt  }
0x63: {  	_ =	shalt  }
0x64: {  	_ =	shalt  }
0x65: {  	_ =	shalt  }
0x66: {  	_ =	shalt  }
0x67: {  	_ =	shalt  }
0x68: {  	_ =	shalt  }
0x69: {  	_ =	shalt  }
0x6a: {  	_ =	shalt  }
0x6b: {  	_ =	shalt  }
0x6c: {  	_ =	shalt  }
0x6d: {  	_ =	shalt  }
0x6e: {  	_ =	shalt  }
0x6f: {  	_ =	shalt  }
0x70: {  	_ =	shalt  }
0x71: {  	_ =	shalt  }
0x72: {  	_ =	shalt  }
0x73: {  	_ =	shalt  }
0x74: {  	_ =	shalt  }
0x75: {  	_ =	shalt  }
0x76: {  	_ =	shalt  }
0x77: {  	_ =	shalt  }
0x78: {  	_ =	shalt  }
0x79: {  	_ =	shalt  }
0x7a: {  	_ =	shalt  }
0x7b: {  	_ =	shalt  }
0x7c: {  	_ =	shalt  }
0x7d: {  	_ =	shalt  }
0x7e: {  	_ =	shalt  }
0x7f: {  	_ =	shalt  }
0x80: {  	_ =	shalt  }
0x81: {  	_ =	shalt  }
0x82: {  	_ =	shalt  }
0x83: {  	_ =	shalt  }
0x84: {  	_ =	shalt  }
0x85: {  	_ =	shalt  }
0x86: {  	_ =	shalt  }
0x87: {  	_ =	shalt  }
.Lfunc_end0:
.L_simem_size_0:
called_computation.1_lowered:
.L_overlay_start_0:
0x88: {  	s2 =	sld [smem:$0x3FD9]  }
0x89: {  	s3 =	sld [smem:$0x3FFE];
	_ =	sdelay $0x1  }
0x8a: {  	s1 =	srdreg.scid  }
0x8b: {  	s0 =	sand.u32 $0x1, s1  }
0x8c: {  	s17 =	sshll.u32 s0, $0xA;
	s2 =	sadd.s32 s3, s2  }
0x8d: {  	s2 =	sadd.s32 s2, s17  }
0x8e: {  	[smem:$0x3FC3] =	sst s2  }
0x8f: {  	_ = 	snop  }
0x90: {  	s2 =	sld [smem:$0x3FD0];
	(tm) =	ssettm $0x1  }
0x91: {  	s18 =	sld [smem:$0x3FFB];
	_ =	sdelay $0x3  }
0x92: {  	_ =	strace s18  }
0x93: {  	s3 =	sld [smem:$0x3FFC];
	_ =	sdelay $0x3  }
0x94: {  	_ =	strace s3  }
0x95: {  	s3 =	sld [smem:$0x3FFD];
	_ =	sdelay $0x3  }
0x96: {  	_ =	strace s3  }
0x97: {  	_ =	strace $0x8FFFFFFF  }
0x98: {  	s19 =	sld [smem:$0x3FDB];
	_ =	sdelay $0x1  }
0x99: {  	s4 =	simm.s32 $_scs_section_size  }
0x9a: {  	s5 =	simm.s32 $_size__tile_overlayer_lowered;
	s6 =	simm.s32 $_tile_overlayer_lowered  }
0x9b: {  	s22 =	simm.s32 $0x1BFF;
	s21 =	sshll.u32 s6, $0x1;
	s3 =	sadd.s32 s4, s19  }
0x9c: {  	s7 =	simm.s32 $0x0;
	s20 =	sshll.u32 s5, $0x1;
	s5 =	sadd.s32 s21, s3  }
0x9d: {  	[timem:s7], [sflag:s22] =	dma.local [hbm:s5], s20  }
0x9e: {  	_ =	swait.ge [sflag:s22], s20  }
0x9f: {  	s4 =	ssub.s32 $0x0, s20;
	[sflag:s22] =	ssyncset.done $0x0  }
0xa0: {  	[sflag:s22] =	ssyncadd.s32 s4;
	_ =	sdelay $0x1  }
0xa1: {  	s23 =	simm.s32 $0x1B8B  }
0xa2: {  	_ =	swait.ge [sflag:s23], $0x1  }
0xa3: {  	[sflag:s23] =	ssyncset.done $0x0  }
0xa4: {  	s25 =	simm.s32 $0x1B8E;
	s24 =	sld [smem:$0x3FFE];
	[sflag:s23] =	ssyncadd.s32 $0xFFFFFFFF  }
0xa5: {  	s26 =	simm.s32 $execute0_lowered;
	[smem:$0x3FD2] =	sst s25  }
0xa6: {  	s5 =	sshll.u32 s26, $0x1;
	_ =	strace $0x80000049;
	[dreg:$0x1] =	wrdreg $0xFFFFFFFF  }
0xa7: {  	s28 =	simm.s32 $_size_execute0_lowered;
	s3 =	sadd.s32 s3, s5;
	[dreg:$0x0] =	wrdreg $0x0  }
0xa8: {  	s5 =	sshll.u32 s28, $0x1;
	[dreg:$0x2] =	wrdreg s3  }
0xa9: {  	[dreg:$0x3] =	wrdreg s5  }
0xaa: {  	[dreg:$0x4] =	wrdreg $0xC0  }
0xab: {  	_ =	task [dreg:s7], $0x5FFFF  }
0xac: {  	[dreg:$0x1] =	wrdreg $0xFFFFFFFF  }
0xad: {  	[dreg:$0x0] =	wrdreg $0x60  }
0xae: {  	[dreg:$0x2] =	wrdreg s2  }
0xaf: {  	[dreg:$0x3] =	wrdreg s24  }
0xb0: {  	[dreg:$0x4] =	wrdreg $0x0  }
0xb1: {  	[dreg:$0x5] =	wrdreg $0x9  }
0xb2: {  	_ =	task.clear_ibuf [dreg:s7], $0x6FFFF;
	_ =	strace $0x90000049  }
0xb3: {  	s29 =	simm.s32 $0x9;
	_ =	strace $0x8000004B  }
0xb4: {  	_ =	swait.ge [sflag:s29], $0x1  }
0xb5: {  	[sflag:s29] =	ssyncadd.s32 $0xFFFFFFFF  }
0xb6: {  	_ =	strace $0x9000004B  }
0xb7: {  	_ =	sfence  }
0xb8: {  	s30 =	sld [smem:$0x0];
	_ =	sdelay $0x2  }
0xb9: {  	s31 =	sshll.u32 s1, $0xD;
	s1 =	sshrl.u32 s1, $0x2  }
0xba: {  	s3 =	sand.u32 $0x4000, s31;
	s1 =	sadd.s32 s1, s30  }
0xbb: {  	s0 =	sor.u32 s3, s0;
	s1 =	sshll.u32 s1, $0x11  }
0xbc: {  	s0 =	sor.u32 s1, s0  }
0xbd: {  	s0 =	sadd.s32 $0x8F2B, s0  }
0xbe: {  	[sflag:s0] =	ssyncadd.remote.s32 $0x1  }
0xbf: {  	_ =	sfence.sel $0xFFFF  }
0xc0: {  	[dreg:$0x0] =	wrdreg $0xFFFFFFFF;
	(pc) =	sbr.abs _section_cstart, $3  }
0xc1: {  	[dreg:$0x1] =	wrdreg $0xFFFFFFFF  }
0xc2: {  	_ =	task.clear_ibuf [dreg:s7], $0x2FFFF;
	_ =	strace $0x9FFFFFFF  }
0xc3: {  	(tm) =	ssettm $0x7FFFFFFF  }
tec
execute0_lowered:
.L_overlay_start_1:
0x0: {  	(tag) =	ssettag $0x1  }
0x1: {  	s0 =	rddreg [dreg:$0x0]  }
0x2: {  	s5 =	rddreg [dreg:$0x1]  }
0x3: {  	s1 =	srdreg.scid;
	s3 =	rddreg [dreg:$0x2]  }
0x4: {  	s2 =	stileid.u32;
	s4 =	simm.s32 $0x0;
	s14 =	simm.s32 $0x16080  }
0x5: {  	s15 =	simm.s32 $0x160D0;
	s16 =	simm.s32 $0x50;
	s8 =	smul.u32 $0x2710, s2  }
0x6: {  	s17 =	simm.s32 $0x1;
	s19 =	simm.s32 $0x0;
	s9 =	smul.u32 $0x280, s2  }
0x7: {  	s6 =	sand.u32 $0x1, s1;
	s1 =	rddreg [dreg:$0x3];
	s29 =	smul.u32 $0x50000, s2  }
0x8: {  	[smem:$0x7FF] =	sst s4;
	s12 =	sadd.s32 $0x17000, s5;
	s7 =	smul.u32 $0x27100, s6  }
0x9: {  	p0 =	seq.s32 s2, $0xF;
	s18 =	sadd.s32 $0x12C000, s3;
	s10 =	smul.u32 $0x2710, s6  }
0xa: {  	_ =	strace $0x8000004A;
	s26 =	ssub.s32 $0x2, s6;
	s6 =	smul.u32 $0x138800, s6  }
0xb: {  	s18 =	sshrl.u32 @p0 s18, $0x3;
	s28 =	sshrl.u32 s26, $0x1;
	s7 =	sadd.s32 s8, s7  }
0xc: {  	s13 =	ssub.s32 s26, s28;
	s30 =	sadd.s32 s9, s10;
	s6 =	sshrl.u32 s6, $0x3  }
0xd: {  	s7 =	sshrl.u32 s7, $0x3;
	s8 =	sshll.u32 s30, $0x4;
	s31 =	sadd.s32 s12, s6  }
0xe: {  	s9 =	smax.u32 s13, $0x1;
	s13 =	simm.s32 $0x2;
	s11 =	sadd.s32 s7, s5  }
0xf: {  	s5 =	simm.s32 $0x5;
	s7 =	sshrl.u32 s29, $0x2;
	s6 =	sadd.s32 s12, s8  }
0x10: {  	s8 =	sadd.s32 $0x25800, s31;
	s12 =	simm.s32 $0x13880;
	s5 =	simm.s32 @!p0 $0x8  }
0x11: {  	v0 =	vimm.f32 $0.0e+00;
	s7 =	sadd.s32 s7, s3;
	s10 =	sadd.s32 $0x3400, s11;
	s11 =	sadd.s32 $0xD200, s11  }
.LBB2_1:
0x12: {  	s20 =	sand.u32 $0xFE00, s4  }
0x13: {  	s21 =	sand.u32 $0x70, s4;
	s22 =	sshrl.u32 s20, $0x2  }
0x14: {  	s20 =	simm.s32 $0x40;
	s22 =	sor.u32 s21, s22;
	s21 =	simm.s32 $0x0  }
.LBB2_2:
0x15: {  	p1 =	sne.s32 s20, $0x9FC0  }
0x16: {  	[tilespmem:s22+$0x13880] =	vst v0;
	s21 =	sadd.s32 $0x10, s21;
	s22 =	smov.u32 s20;
	s20 =	sadd.s32 $0x40, s20  }
.Ltmp0:
0x17: {  	(pc) =	sbr.rel @p1 .LBB2_2-.Ltmp0, $4  }
0x18: {  	_ = 	snop  }
0x19: {  	s22 =	sand.u32 $0xFE00, s22  }
0x1a: {  	s23 =	sand.u32 $0x70, s21;
	s22 =	sshrl.u32 s22, $0x2  }
0x1b: {  	s22 =	sor.u32 s23, s22  }
0x1c: {  	p1 =	sne.s32 s5, $0x1  }
.Ltmp1:
0x1d: {  	_ = 	snop;
	(pc) =	sbr.rel @!p1 .LBB2_5-.Ltmp1, $4  }
0x1e: {  	[tilespmem:s22+$0x13880] =	vst v0  }
0x1f: {  	[spmem:s7] =	stream.linear.scatter [tilespmem:s12], [sflag:$0x2], $0x2800, $0x38;
	[tilespmem:$0x16120] =	vst v63  }
0x20: {  	_ =	swait.ge [sflag:s13], $0x2800  }
0x21: {  	s20 =	sadd.s32 $0xFFFFFFFF, s5;
	s21 =	smov.u32 s7;
	[sflag:s13] =	ssyncset.done $0x0  }
.LBB2_4:
0x22: {  	p1 =	sne.s32 s20, $0x1;
	[sflag:s13] =	ssyncadd.s32 $0xFFFFD800;
	s21 =	sadd.s32 $0x2800, s21  }
.Ltmp2:
0x23: {  	s20 =	sadd.s32 $0xFFFFFFFF, s20;
	(pc) =	sbr.rel @p1 .LBB2_4-.Ltmp2, $4  }
0x24: {  	_ = 	snop  }
0x25: {  	[spmem:s21] =	stream.linear.scatter [tilespmem:s12], [sflag:$0x2], $0x2800, $0x38;
	[tilespmem:$0x16120] =	vst v63  }
0x26: {  	_ =	swait.ge [sflag:s13], $0x2800  }
0x27: {  	[sflag:s13] =	ssyncset.done $0x0  }
.LBB2_5:
0x28: {  	[sflag:s13] =	ssyncadd.s32 $0xFFFFD800  }
0x29: {  	s20 =	sadd.s32 $0x0, s11;
	[bflag:$0x0] =	sbarrier.arrive $0xFFFF  }
0x2a: {  	[tilespmem:s14], [sflag:$0x2] =	stream.linear.gather [hbm4b:s20+s4], $0x50, $0x38;
	[tilespmem:$0x16120] =	vst v63  }
0x2b: {  	_ =	swait.ge [sflag:s13], $0x50  }
0x2c: {  	[sflag:s13] =	ssyncset.done $0x0  }
0x2d: {  	s31 =	sadd.s32 $0x0, s10;
	[sflag:s13] =	ssyncadd.s32 $0xFFFFFFB0  }
0x2e: {  	[tilespmem:s15], [sflag:$0x2] =	stream.linear.gather [hbm4b:s31+s4], $0x50, $0x38;
	[tilespmem:$0x16120] =	vst v63  }
0x2f: {  	_ =	swait.ge [sflag:s13], $0x50  }
0x30: {  	[sflag:s13] =	ssyncset.done $0x0  }
0x31: {  	[sflag:s13] =	ssyncadd.s32 $0xFFFFFFB0  }
0x32: {  	[tilespmem:s12], [sflag:$0x1] =	stream.indirect.gather [hbm4b:s0+s16], $0x80, s14, s16, $0xb8;
	[tilespmem:$0x16120] =	vst v63  }
0x33: {  	_ =	swait.ge [sflag:s17], $0x2800  }
0x34: {  	[sflag:s17] =	ssyncset.done $0x0  }
0x35: {  	[sflag:s17] =	ssyncadd.s32 $0xFFFFD800  }
0x36: {  	[spmem:s3] =	stream.indirect.scatter.add.f32 [tilespmem:s12], [sflag:$0x2], $0x80, s15, s16, $0xb8;
	[tilespmem:$0x16120] =	vst v63  }
0x37: {  	_ =	swait.ge [sflag:s13], $0x2800  }
0x38: {  	s21 =	simm.s32 $0x14;
	s20 =	simm.s32 $0xA;
	[sflag:s13] =	ssyncset.done $0x0  }
.LBB2_6:
0x39: {  	s22 =	sadd.s32 s20, s11  }
0x3a: {  	[sflag:s13] =	ssyncadd.s32 $0xFFFFD800;
	s23 =	smov.u32 s21;
	s24 =	sadd.s32 $0xA, s21  }
0x3b: {  	[tilespmem:s14], [sflag:$0x2] =	stream.linear.gather [hbm4b:s22+s4], $0x50, $0x38;
	[tilespmem:$0x16120] =	vst v63  }
0x3c: {  	p1 =	sne.s32 s21, $0x4D8;
	_ =	swait.ge [sflag:s13], $0x50  }
0x3d: {  	[sflag:s13] =	ssyncset.done $0x0  }
0x3e: {  	s21 =	sadd.s32 s20, s10;
	s20 =	smov.u32 s23;
	[sflag:s13] =	ssyncadd.s32 $0xFFFFFFB0  }
0x3f: {  	[tilespmem:s15], [sflag:$0x2] =	stream.linear.gather [hbm4b:s21+s4], $0x50, $0x38;
	[tilespmem:$0x16120] =	vst v63  }
0x40: {  	_ =	swait.ge [sflag:s13], $0x50  }
0x41: {  	[sflag:s13] =	ssyncset.done $0x0  }
0x42: {  	[sflag:s13] =	ssyncadd.s32 $0xFFFFFFB0  }
0x43: {  	[tilespmem:s12], [sflag:$0x1] =	stream.indirect.gather [hbm4b:s0+s16], $0x80, s14, s16, $0xb8;
	[tilespmem:$0x16120] =	vst v63  }
0x44: {  	_ =	swait.ge [sflag:s17], $0x2800  }
.Ltmp3:
0x45: {  	[sflag:s17] =	ssyncset.done $0x0;
	(pc) =	sbr.rel @p1 .LBB2_6-.Ltmp3, $4  }
0x46: {  	[sflag:s17] =	ssyncadd.s32 $0xFFFFD800  }
0x47: {  	[spmem:s3] =	stream.indirect.scatter.add.f32 [tilespmem:s12], [sflag:$0x2], $0x80, s15, s16, $0xb8;
	[tilespmem:$0x16120] =	vst v63  }
0x48: {  	_ =	swait.ge [sflag:s13], $0x2800  }
0x49: {  	s21 =	smov.u32 s24;
	[sflag:s13] =	ssyncset.done $0x0  }
0x4a: {  	s21 =	sadd.s32 s20, s11;
	[sflag:s13] =	ssyncadd.s32 $0xFFFFD800  }
0x4b: {  	[tilespmem:s14], [sflag:$0x2] =	stream.linear.gather [hbm4b:s21+s4], $0x50, $0x38;
	[tilespmem:$0x16120] =	vst v63  }
0x4c: {  	_ =	swait.ge [sflag:s13], $0x50  }
0x4d: {  	[sflag:s13] =	ssyncset.done $0x0  }
0x4e: {  	s31 =	sadd.s32 s20, s10;
	[sflag:s13] =	ssyncadd.s32 $0xFFFFFFB0  }
0x4f: {  	[tilespmem:s15], [sflag:$0x2] =	stream.linear.gather [hbm4b:s31+s4], $0x50, $0x38;
	[tilespmem:$0x16120] =	vst v63  }
0x50: {  	_ =	swait.ge [sflag:s13], $0x50  }
0x51: {  	[sflag:s13] =	ssyncset.done $0x0  }
0x52: {  	[sflag:s13] =	ssyncadd.s32 $0xFFFFFFB0  }
0x53: {  	[tilespmem:s12], [sflag:$0x1] =	stream.indirect.gather [hbm4b:s0+s16], $0x80, s14, s16, $0xb8;
	[tilespmem:$0x16120] =	vst v63  }
0x54: {  	_ =	swait.ge [sflag:s17], $0x2800  }
0x55: {  	[sflag:s17] =	ssyncset.done $0x0  }
0x56: {  	[sflag:s17] =	ssyncadd.s32 $0xFFFFD800  }
0x57: {  	[spmem:s3] =	stream.indirect.scatter.add.f32 [tilespmem:s12], [sflag:$0x2], $0x80, s15, s16, $0xb8;
	[tilespmem:$0x16120] =	vst v63  }
0x58: {  	_ =	swait.ge [sflag:s13], $0x2800  }
0x59: {  	[sflag:s13] =	ssyncset.done $0x0  }
0x5a: {  	[sflag:s13] =	ssyncadd.s32 $0xFFFFD800  }
0x5b: {  	s20 =	simm.s32 @p0 $0x1FC2;
	[bflag:$0x0] =	sbarrier.arrive $0xFFFF  }
0x5c: {  	[hbm:s8], [sflag:s20] =	dma.local @p0 [spmem:s18], $0x1900  }
0x5d: {  	s20 =	simm.s32 @p0 $0x2  }
0x5e: {  	s19 =	sadd.s32 $0x1, s19;
	_ =	swait.ge @p0 [sflag:s20], $0x1900  }
0x5f: {  	s21 =	sshll.u32 @!p0 s2, $0x6;
	p1 =	sne.s32 s19, s9;
	[sflag:s20] =	ssyncset.done @p0 $0x0  }
0x60: {  	[sflag:s20] =	ssyncadd.s32 @p0 $0xFFFFE700;
	s20 =	sor.u32 @!p0 $0x1C02, s21;
	s21 =	sshrl.u32 @!p0 s7, $0x3  }
0x61: {  	[hbm:s6], [sflag:s20] =	dma.local @!p0 [spmem:s21], $0x2800  }
.Ltmp4:
0x62: {  	_ = 	snop;
	(pc) =	sbr.rel @p1 .LBB2_1-.Ltmp4, $4  }
0x63: {  	s20 =	simm.s32 @!p0 $0x2  }
0x64: {  	_ =	swait.ge @!p0 [sflag:s20], $0x2800  }
0x65: {  	[sflag:s20] =	ssyncset.done @!p0 $0x0  }
0x66: {  	[sflag:s20] =	ssyncadd.s32 @!p0 $0xFFFFD800  }
0x67: {  	_ =	sfence.sel $0x180000  }
0x68: {  	[bflag:$0x0] =	sbarrier.arrive $0xFFFF  }
0x69: {  	p0 =	sne.s32 s2, $0x0;
	_ =	strace $0x9000004A  }
0x6a: {  	s0 =	sadd.s32 @!p0 $0x100000, s1;
	[bflag:$0x2] =	sbarrier.arrive $0xFFFF  }
0x6b: {  	[sflag:s0] =	ssyncadd.tile.s32 @!p0 $0x1;
	_ =	shalt  }
.Lfunc_end2:
_tile_overlayer_lowered:
.L_overlay_start_2:
0x6c: {  	(tag) =	ssettag $0x2  }
0x6d: {  	s0 =	rddreg [dreg:$0x0];
	s2 =	stileid.u32  }
0x6e: {  	s1 =	rddreg [dreg:$0x1];
	p0 =	sne.s32 s2, $0x0  }
0x6f: {  	s3 =	rddreg [dreg:$0x2];
	[bflag:$0x3] =	sbarrier.arrive $0xFFFF;
	s2 =	simm.s32 @!p0 $0x1C02  }
0x70: {  	[timem:s3], [sflag:s2] =	dma.local @!p0 [hbm:s0], s1  }
0x71: {  	s0 =	simm.s32 @!p0 $0x2  }
0x72: {  	_ =	swait.ge @!p0 [sflag:s0], s1  }
0x73: {  	s1 =	ssub.s32 @!p0 $0x0, s1;
	[sflag:s0] =	ssyncset.done @!p0 $0x0  }
0x74: {  	[sflag:s0] =	ssyncadd.s32 @!p0 s1  }
0x75: {  	[bflag:$0x3] =	sbarrier.arrive $0xFFFF  }
0x76: {  	_ =	shalt  }

// kernel: kernel.14.cloned.1.call-start
scs
__scs_entry_jumppad:
0x0: {  	(pc) =	sbr.rel $0x88, $3  }
0x1: {  	(tag) =	ssettag $0x0;
	lr =	simm.s32 $0x1  }
0x2: {  	[smem:$0x3F9C] =	sst lr;
	_ =	strace $0xD0000000  }
0x3: {  	_ = 	snop  }
0x4: {  	_ = 	snop  }
0x5: {  	_ = 	snop  }
0x6: {  	_ = 	snop  }
0x7: {  	_ = 	snop  }
__scs_overlays_trampoline_lowered:
0x8: {  	[smem:$0x3FAB] =	sst s0  }
0x9: {  	[smem:$0x3FAC] =	sst s1  }
0xa: {  	[smem:$0x3FAD] =	sst s2  }
0xb: {  	[smem:$0x3FAE] =	sst s3  }
0xc: {  	[smem:$0x3FAF] =	sst s4  }
0xd: {  	[smem:$0x3FB0] =	sst s5  }
0xe: {  	[smem:$0x3FB1] =	sst s6  }
0xf: {  	[smem:$0x3FB2] =	sst s7  }
0x10: {  	[smem:$0x3FB3] =	sst s8  }
0x11: {  	[smem:$0x3FB4] =	sst s9;
	s0 =	simm.s32 @!p0 $0x0  }
0x12: {  	s1 =	sld [smem:$0x3F9A];
	s0 =	simm.s32 @p0 $0x1  }
0x13: {  	[smem:$0x3FB5] =	sst s0;
	s0 =	simm.s32 @!p1 $0x0  }
0x14: {  	s2 =	sld [smem:$0x3F99];
	s0 =	simm.s32 @p1 $0x1  }
0x15: {  	[smem:$0x3FB6] =	sst s0;
	s0 =	simm.s32 @!p2 $0x0  }
0x16: {  	s3 =	sld [smem:$0x3FDB];
	s0 =	simm.s32 @p2 $0x1  }
0x17: {  	s4 =	simm.s32 $0x1BF5;
	[smem:$0x3FB8] =	sst s0  }
0x18: {  	s0 =	sld [smem:$0x3F9B];
	_ =	swait.ge [sflag:s4], $0x0  }
0x19: {  	s7 =	sld [smem:$0x3F9C]  }
0x1a: {  	s8 =	sadd.s32 $0xFFFFE003, lr  }
0x1b: {  	s9 =	sadd.s32 $0xFFFFFEF7, lr;
	s5 =	simm.s32 $0xFFFFFFFF;
	p2 =	slt.u32 s8, $0xFFFFF086  }
0x1c: {  	p1 =	slt.u32 s9, $0xF7A;
	s5 =	simm.s32 @!p2 $0x0  }
0x1d: {  	s5 =	simm.s32 @p1 $0x1;
	p0 =	seq.s32 s7, s2  }
0x1e: {  	s7 =	smul.u32 @!p0 $0xF7A, s2;
	p2 =	seq.s32 @!p0 s5, $0x0  }
0x1f: {  	s9 =	smul.u32 $0xF7A, s1;
	s8 =	simm.s32 @!p0 $0x1BF5;
	p2 =	por !p2, p0  }
0x20: {  	[sflag:s8] =	ssyncset.s32 @!p0 $0xFFFFF086;
	s6 =	sadd.s32 @!p0 s3, s7;
	s7 =	simm.s32 @!p0 $0x108  }
0x21: {  	s3 =	sadd.s32 s3, s9;
	s6 =	sadd.s32 @!p0 $0x88, s6;
	s7 =	simm.s32 @p2 $0x1082  }
0x22: {  	[simem:s7], [sflag:s8] =	dma.local @!p0 [hbm:s6], $0xF7A  }
0x23: {  	s9 =	sor.u32 $0xD0000000, s2;
	s6 =	simm.s32 $0x108;
	_ =	swait.ge @!p0 [sflag:s8], $0x0  }
0x24: {  	s3 =	sadd.s32 $0x88, s3;
	s6 =	simm.s32 @!p1 $0x1082;
	[sflag:s4] =	ssyncset.s32 $0xFFFFF086  }
0x25: {  	[simem:s6], [sflag:s4] =	dma.local [hbm:s3], $0xF7A  }
0x26: {  	[smem:$0x3F9C] =	sst s1;
	(tag) =	ssettag s2;
	_ =	strace s9  }
0x27: {  	s1 =	sld [smem:$0x3FAC]  }
0x28: {  	s2 =	sld [smem:$0x3FAD]  }
0x29: {  	s4 =	sld [smem:$0x3FAF]  }
0x2a: {  	p0 =	seq.s32 s5, $0x0;
	s5 =	sld [smem:$0x3FB0]  }
0x2b: {  	s6 =	sld [smem:$0x3FB1]  }
0x2c: {  	s7 =	sld [smem:$0x3FB2]  }
0x2d: {  	s3 =	simm.s32 $0x108;
	s8 =	sld [smem:$0x3FB3]  }
0x2e: {  	s3 =	simm.s32 @!p0 $0x1082;
	s9 =	sld [smem:$0x3FB4]  }
0x2f: {  	lr =	sadd.s32 s0, s3;
	s0 =	sld [smem:$0x3FAB]  }
0x30: {  	s3 =	sld [smem:$0x3FAE]  }
0x31: {  	[smem:$0x3FB7] =	sst s10  }
0x32: {  	s10 =	sld [smem:$0x3FB5];
	_ =	sdelay $0x3  }
0x33: {  	p0 =	seq.s32 s10, $0x1;
	s10 =	sld [smem:$0x3FB7];
	_ =	sdelay $0x3  }
0x34: {  	[smem:$0x3FB7] =	sst s10  }
0x35: {  	s10 =	sld [smem:$0x3FB6];
	_ =	sdelay $0x3  }
0x36: {  	p1 =	seq.s32 s10, $0x1;
	s10 =	sld [smem:$0x3FB7];
	_ =	sdelay $0x3  }
0x37: {  	[smem:$0x3FB7] =	sst s10  }
0x38: {  	s10 =	sld [smem:$0x3FB8]  }
0x39: {  	_ = 	snop;
	(pc) =	sbr.ind lr, $3  }
0x3a: {  	_ = 	snop  }
0x3b: {  	_ = 	snop  }
0x3c: {  	p2 =	seq.s32 s10, $0x1;
	s10 =	sld [smem:$0x3FB7]  }
0x3d: {  	_ =	shalt  }
0x3e: {  	_ =	shalt  }
0x3f: {  	_ =	shalt  }
0x40: {  	_ =	shalt  }
0x41: {  	_ =	shalt  }
0x42: {  	_ =	shalt  }
0x43: {  	_ =	shalt  }
0x44: {  	_ =	shalt  }
0x45: {  	_ =	shalt  }
0x46: {  	_ =	shalt  }
0x47: {  	_ =	shalt  }
0x48: {  	_ =	shalt  }
0x49: {  	_ =	shalt  }
0x4a: {  	_ =	shalt  }
0x4b: {  	_ =	shalt  }
0x4c: {  	_ =	shalt  }
0x4d: {  	_ =	shalt  }
0x4e: {  	_ =	shalt  }
0x4f: {  	_ =	shalt  }
0x50: {  	_ =	shalt  }
0x51: {  	_ =	shalt  }
0x52: {  	_ =	shalt  }
0x53: {  	_ =	shalt  }
0x54: {  	_ =	shalt  }
0x55: {  	_ =	shalt  }
0x56: {  	_ =	shalt  }
0x57: {  	_ =	shalt  }
0x58: {  	_ =	shalt  }
0x59: {  	_ =	shalt  }
0x5a: {  	_ =	shalt  }
0x5b: {  	_ =	shalt  }
0x5c: {  	_ =	shalt  }
0x5d: {  	_ =	shalt  }
0x5e: {  	_ =	shalt  }
0x5f: {  	_ =	shalt  }
0x60: {  	_ =	shalt  }
0x61: {  	_ =	shalt  }
0x62: {  	_ =	shalt  }
0x63: {  	_ =	shalt  }
0x64: {  	_ =	shalt  }
0x65: {  	_ =	shalt  }
0x66: {  	_ =	shalt  }
0x67: {  	_ =	shalt  }
0x68: {  	_ =	shalt  }
0x69: {  	_ =	shalt  }
0x6a: {  	_ =	shalt  }
0x6b: {  	_ =	shalt  }
0x6c: {  	_ =	shalt  }
0x6d: {  	_ =	shalt  }
0x6e: {  	_ =	shalt  }
0x6f: {  	_ =	shalt  }
0x70: {  	_ =	shalt  }
0x71: {  	_ =	shalt  }
0x72: {  	_ =	shalt  }
0x73: {  	_ =	shalt  }
0x74: {  	_ =	shalt  }
0x75: {  	_ =	shalt  }
0x76: {  	_ =	shalt  }
0x77: {  	_ =	shalt  }
0x78: {  	_ =	shalt  }
0x79: {  	_ =	shalt  }
0x7a: {  	_ =	shalt  }
0x7b: {  	_ =	shalt  }
0x7c: {  	_ =	shalt  }
0x7d: {  	_ =	shalt  }
0x7e: {  	_ =	shalt  }
0x7f: {  	_ =	shalt  }
0x80: {  	_ =	shalt  }
0x81: {  	_ =	shalt  }
0x82: {  	_ =	shalt  }
0x83: {  	_ =	shalt  }
0x84: {  	_ =	shalt  }
0x85: {  	_ =	shalt  }
0x86: {  	_ =	shalt  }
0x87: {  	_ =	shalt  }
.Lfunc_end0:
.L_simem_size_0:
called_computation.2_lowered:
.L_overlay_start_0:
0x88: {  	s2 =	sld [smem:$0x3FD9]  }
0x89: {  	s3 =	sld [smem:$0x3FFE];
	_ =	sdelay $0x1  }
0x8a: {  	s1 =	srdreg.scid  }
0x8b: {  	s0 =	sand.u32 $0x1, s1  }
0x8c: {  	s17 =	sshll.u32 s0, $0xA;
	s2 =	sadd.s32 s3, s2  }
0x8d: {  	s2 =	sadd.s32 s2, s17  }
0x8e: {  	[smem:$0x3FC3] =	sst s2  }
0x8f: {  	_ = 	snop  }
0x90: {  	s2 =	sld [smem:$0x3FD0];
	(tm) =	ssettm $0x1  }
0x91: {  	s18 =	sld [smem:$0x3FFB];
	_ =	sdelay $0x3  }
0x92: {  	_ =	strace s18  }
0x93: {  	s3 =	sld [smem:$0x3FFC];
	_ =	sdelay $0x3  }
0x94: {  	_ =	strace s3  }
0x95: {  	s3 =	sld [smem:$0x3FFD];
	_ =	sdelay $0x3  }
0x96: {  	_ =	strace s3  }
0x97: {  	_ =	strace $0x8FFFFFFF  }
0x98: {  	s19 =	sld [smem:$0x3FDB];
	_ =	sdelay $0x1  }
0x99: {  	s4 =	simm.s32 $_scs_section_size  }
0x9a: {  	s5 =	simm.s32 $_size__tile_overlayer_lowered;
	s6 =	simm.s32 $_tile_overlayer_lowered  }
0x9b: {  	s22 =	simm.s32 $0x1BFF;
	s21 =	sshll.u32 s6, $0x1;
	s3 =	sadd.s32 s4, s19  }
0x9c: {  	s7 =	simm.s32 $0x0;
	s20 =	sshll.u32 s5, $0x1;
	s5 =	sadd.s32 s21, s3  }
0x9d: {  	[timem:s7], [sflag:s22] =	dma.local [hbm:s5], s20  }
0x9e: {  	_ =	swait.ge [sflag:s22], s20  }
0x9f: {  	s4 =	ssub.s32 $0x0, s20;
	[sflag:s22] =	ssyncset.done $0x0  }
0xa0: {  	[sflag:s22] =	ssyncadd.s32 s4;
	_ =	sdelay $0x1  }
0xa1: {  	s23 =	simm.s32 $0x1B8B  }
0xa2: {  	_ =	swait.ge [sflag:s23], $0x1  }
0xa3: {  	[sflag:s23] =	ssyncset.done $0x0  }
0xa4: {  	s25 =	simm.s32 $0x1B8E;
	s24 =	sld [smem:$0x3FFE];
	[sflag:s23] =	ssyncadd.s32 $0xFFFFFFFF  }
0xa5: {  	s26 =	simm.s32 $execute0_lowered;
	[smem:$0x3FD2] =	sst s25  }
0xa6: {  	s5 =	sshll.u32 s26, $0x1;
	_ =	strace $0x8000004C;
	[dreg:$0x1] =	wrdreg $0xFFFFFFFF  }
0xa7: {  	s28 =	simm.s32 $_size_execute0_lowered;
	s3 =	sadd.s32 s3, s5;
	[dreg:$0x0] =	wrdreg $0x0  }
0xa8: {  	s5 =	sshll.u32 s28, $0x1;
	[dreg:$0x2] =	wrdreg s3  }
0xa9: {  	[dreg:$0x3] =	wrdreg s5  }
0xaa: {  	[dreg:$0x4] =	wrdreg $0xC0  }
0xab: {  	_ =	task [dreg:s7], $0x5FFFF  }
0xac: {  	[dreg:$0x1] =	wrdreg $0xFFFFFFFF  }
0xad: {  	[dreg:$0x0] =	wrdreg $0x60  }
0xae: {  	[dreg:$0x2] =	wrdreg s2  }
0xaf: {  	[dreg:$0x3] =	wrdreg s24  }
0xb0: {  	[dreg:$0x4] =	wrdreg $0x0  }
0xb1: {  	[dreg:$0x5] =	wrdreg $0x9  }
0xb2: {  	_ =	task.clear_ibuf [dreg:s7], $0x6FFFF;
	_ =	strace $0x9000004C  }
0xb3: {  	s29 =	simm.s32 $0x9;
	_ =	strace $0x8000004E  }
0xb4: {  	_ =	swait.ge [sflag:s29], $0x1  }
0xb5: {  	[sflag:s29] =	ssyncadd.s32 $0xFFFFFFFF  }
0xb6: {  	_ =	strace $0x9000004E  }
0xb7: {  	_ =	sfence  }
0xb8: {  	s30 =	sld [smem:$0x0];
	_ =	sdelay $0x2  }
0xb9: {  	s31 =	sshll.u32 s1, $0xD;
	s1 =	sshrl.u32 s1, $0x2  }
0xba: {  	s3 =	sand.u32 $0x4000, s31;
	s1 =	sadd.s32 s1, s30  }
0xbb: {  	s0 =	sor.u32 s3, s0;
	s1 =	sshll.u32 s1, $0x11  }
0xbc: {  	s0 =	sor.u32 s1, s0  }
0xbd: {  	s0 =	sadd.s32 $0x8F2B, s0  }
0xbe: {  	[sflag:s0] =	ssyncadd.remote.s32 $0x1  }
0xbf: {  	_ =	sfence.sel $0xFFFF  }
0xc0: {  	[dreg:$0x0] =	wrdreg $0xFFFFFFFF;
	(pc) =	sbr.abs _section_cstart, $3  }
0xc1: {  	[dreg:$0x1] =	wrdreg $0xFFFFFFFF  }
0xc2: {  	_ =	task.clear_ibuf [dreg:s7], $0x2FFFF;
	_ =	strace $0x9FFFFFFF  }
0xc3: {  	(tm) =	ssettm $0x7FFFFFFF  }
tec
execute0_lowered:
.L_overlay_start_1:
0x0: {  	(tag) =	ssettag $0x1  }
0x1: {  	s0 =	rddreg [dreg:$0x0]  }
0x2: {  	s5 =	rddreg [dreg:$0x1]  }
0x3: {  	s1 =	srdreg.scid;
	s3 =	rddreg [dreg:$0x2]  }
0x4: {  	s2 =	stileid.u32;
	s4 =	simm.s32 $0x0;
	s14 =	simm.s32 $0x16080  }
0x5: {  	s15 =	simm.s32 $0x160D0;
	s16 =	simm.s32 $0x50;
	s8 =	smul.u32 $0x2710, s2  }
0x6: {  	s17 =	simm.s32 $0x1;
	s19 =	simm.s32 $0x0;
	s9 =	smul.u32 $0x280, s2  }
0x7: {  	s6 =	sand.u32 $0x1, s1;
	s1 =	rddreg [dreg:$0x3];
	s29 =	smul.u32 $0x50000, s2  }
0x8: {  	[smem:$0x7FF] =	sst s4;
	s12 =	sadd.s32 $0x17000, s5;
	s7 =	smul.u32 $0x27100, s6  }
0x9: {  	p0 =	seq.s32 s2, $0xF;
	s18 =	sadd.s32 $0x12C000, s3;
	s10 =	smul.u32 $0x2710, s6  }
0xa: {  	_ =	strace $0x8000004D;
	s26 =	ssub.s32 $0x2, s6;
	s6 =	smul.u32 $0x138800, s6  }
0xb: {  	s18 =	sshrl.u32 @p0 s18, $0x3;
	s28 =	sshrl.u32 s26, $0x1;
	s7 =	sadd.s32 s8, s7  }
0xc: {  	s13 =	ssub.s32 s26, s28;
	s30 =	sadd.s32 s9, s10;
	s6 =	sshrl.u32 s6, $0x3  }
0xd: {  	s7 =	sshrl.u32 s7, $0x3;
	s8 =	sshll.u32 s30, $0x4;
	s31 =	sadd.s32 s12, s6  }
0xe: {  	s9 =	smax.u32 s13, $0x1;
	s13 =	simm.s32 $0x2;
	s11 =	sadd.s32 s7, s5  }
0xf: {  	s5 =	simm.s32 $0x5;
	s7 =	sshrl.u32 s29, $0x2;
	s6 =	sadd.s32 s12, s8  }
0x10: {  	s8 =	sadd.s32 $0x25800, s31;
	s12 =	simm.s32 $0x13880;
	s5 =	simm.s32 @!p0 $0x8  }
0x11: {  	v0 =	vimm.f32 $0.0e+00;
	s7 =	sadd.s32 s7, s3;
	s10 =	sadd.s32 $0x3400, s11;
	s11 =	sadd.s32 $0xD200, s11  }
.LBB2_1:
0x12: {  	s20 =	sand.u32 $0xFE00, s4  }
0x13: {  	s21 =	sand.u32 $0x70, s4;
	s22 =	sshrl.u32 s20, $0x2  }
0x14: {  	s20 =	simm.s32 $0x40;
	s22 =	sor.u32 s21, s22;
	s21 =	simm.s32 $0x0  }
.LBB2_2:
0x15: {  	p1 =	sne.s32 s20, $0x9FC0  }
0x16: {  	[tilespmem:s22+$0x13880] =	vst v0;
	s21 =	sadd.s32 $0x10, s21;
	s22 =	smov.u32 s20;
	s20 =	sadd.s32 $0x40, s20  }
.Ltmp0:
0x17: {  	(pc) =	sbr.rel @p1 .LBB2_2-.Ltmp0, $4  }
0x18: {  	_ = 	snop  }
0x19: {  	s22 =	sand.u32 $0xFE00, s22  }
0x1a: {  	s23 =	sand.u32 $0x70, s21;
	s22 =	sshrl.u32 s22, $0x2  }
0x1b: {  	s22 =	sor.u32 s23, s22  }
0x1c: {  	p1 =	sne.s32 s5, $0x1  }
.Ltmp1:
0x1d: {  	_ = 	snop;
	(pc) =	sbr.rel @!p1 .LBB2_5-.Ltmp1, $4  }
0x1e: {  	[tilespmem:s22+$0x13880] =	vst v0  }
0x1f: {  	[spmem:s7] =	stream.linear.scatter [tilespmem:s12], [sflag:$0x2], $0x2800, $0x38;
	[tilespmem:$0x16120] =	vst v63  }
0x20: {  	_ =	swait.ge [sflag:s13], $0x2800  }
0x21: {  	s20 =	sadd.s32 $0xFFFFFFFF, s5;
	s21 =	smov.u32 s7;
	[sflag:s13] =	ssyncset.done $0x0  }
.LBB2_4:
0x22: {  	p1 =	sne.s32 s20, $0x1;
	[sflag:s13] =	ssyncadd.s32 $0xFFFFD800;
	s21 =	sadd.s32 $0x2800, s21  }
.Ltmp2:
0x23: {  	s20 =	sadd.s32 $0xFFFFFFFF, s20;
	(pc) =	sbr.rel @p1 .LBB2_4-.Ltmp2, $4  }
0x24: {  	_ = 	snop  }
0x25: {  	[spmem:s21] =	stream.linear.scatter [tilespmem:s12], [sflag:$0x2], $0x2800, $0x38;
	[tilespmem:$0x16120] =	vst v63  }
0x26: {  	_ =	swait.ge [sflag:s13], $0x2800  }
0x27: {  	[sflag:s13] =	ssyncset.done $0x0  }
.LBB2_5:
0x28: {  	[sflag:s13] =	ssyncadd.s32 $0xFFFFD800  }
0x29: {  	s20 =	sadd.s32 $0x0, s11;
	[bflag:$0x0] =	sbarrier.arrive $0xFFFF  }
0x2a: {  	[tilespmem:s14], [sflag:$0x2] =	stream.linear.gather [hbm4b:s20+s4], $0x50, $0x38;
	[tilespmem:$0x16120] =	vst v63  }
0x2b: {  	_ =	swait.ge [sflag:s13], $0x50  }
0x2c: {  	[sflag:s13] =	ssyncset.done $0x0  }
0x2d: {  	s31 =	sadd.s32 $0x0, s10;
	[sflag:s13] =	ssyncadd.s32 $0xFFFFFFB0  }
0x2e: {  	[tilespmem:s15], [sflag:$0x2] =	stream.linear.gather [hbm4b:s31+s4], $0x50, $0x38;
	[tilespmem:$0x16120] =	vst v63  }
0x2f: {  	_ =	swait.ge [sflag:s13], $0x50  }
0x30: {  	[sflag:s13] =	ssyncset.done $0x0  }
0x31: {  	[sflag:s13] =	ssyncadd.s32 $0xFFFFFFB0  }
0x32: {  	[tilespmem:s12], [sflag:$0x1] =	stream.indirect.gather [hbm4b:s0+s16], $0x80, s14, s16, $0xb8;
	[tilespmem:$0x16120] =	vst v63  }
0x33: {  	_ =	swait.ge [sflag:s17], $0x2800  }
0x34: {  	[sflag:s17] =	ssyncset.done $0x0  }
0x35: {  	[sflag:s17] =	ssyncadd.s32 $0xFFFFD800  }
0x36: {  	[spmem:s3] =	stream.indirect.scatter.add.f32 [tilespmem:s12], [sflag:$0x2], $0x80, s15, s16, $0xb8;
	[tilespmem:$0x16120] =	vst v63  }
0x37: {  	_ =	swait.ge [sflag:s13], $0x2800  }
0x38: {  	s21 =	simm.s32 $0x14;
	s20 =	simm.s32 $0xA;
	[sflag:s13] =	ssyncset.done $0x0  }
.LBB2_6:
0x39: {  	s22 =	sadd.s32 s20, s11  }
0x3a: {  	[sflag:s13] =	ssyncadd.s32 $0xFFFFD800;
	s23 =	smov.u32 s21;
	s24 =	sadd.s32 $0xA, s21  }
0x3b: {  	[tilespmem:s14], [sflag:$0x2] =	stream.linear.gather [hbm4b:s22+s4], $0x50, $0x38;
	[tilespmem:$0x16120] =	vst v63  }
0x3c: {  	p1 =	sne.s32 s21, $0x4D8;
	_ =	swait.ge [sflag:s13], $0x50  }
0x3d: {  	[sflag:s13] =	ssyncset.done $0x0  }
0x3e: {  	s21 =	sadd.s32 s20, s10;
	s20 =	smov.u32 s23;
	[sflag:s13] =	ssyncadd.s32 $0xFFFFFFB0  }
0x3f: {  	[tilespmem:s15], [sflag:$0x2] =	stream.linear.gather [hbm4b:s21+s4], $0x50, $0x38;
	[tilespmem:$0x16120] =	vst v63  }
0x40: {  	_ =	swait.ge [sflag:s13], $0x50  }
0x41: {  	[sflag:s13] =	ssyncset.done $0x0  }
0x42: {  	[sflag:s13] =	ssyncadd.s32 $0xFFFFFFB0  }
0x43: {  	[tilespmem:s12], [sflag:$0x1] =	stream.indirect.gather [hbm4b:s0+s16], $0x80, s14, s16, $0xb8;
	[tilespmem:$0x16120] =	vst v63  }
0x44: {  	_ =	swait.ge [sflag:s17], $0x2800  }
.Ltmp3:
0x45: {  	[sflag:s17] =	ssyncset.done $0x0;
	(pc) =	sbr.rel @p1 .LBB2_6-.Ltmp3, $4  }
0x46: {  	[sflag:s17] =	ssyncadd.s32 $0xFFFFD800  }
0x47: {  	[spmem:s3] =	stream.indirect.scatter.add.f32 [tilespmem:s12], [sflag:$0x2], $0x80, s15, s16, $0xb8;
	[tilespmem:$0x16120] =	vst v63  }
0x48: {  	_ =	swait.ge [sflag:s13], $0x2800  }
0x49: {  	s21 =	smov.u32 s24;
	[sflag:s13] =	ssyncset.done $0x0  }
0x4a: {  	s21 =	sadd.s32 s20, s11;
	[sflag:s13] =	ssyncadd.s32 $0xFFFFD800  }
0x4b: {  	[tilespmem:s14], [sflag:$0x2] =	stream.linear.gather [hbm4b:s21+s4], $0x50, $0x38;
	[tilespmem:$0x16120] =	vst v63  }
0x4c: {  	_ =	swait.ge [sflag:s13], $0x50  }
0x4d: {  	[sflag:s13] =	ssyncset.done $0x0  }
0x4e: {  	s31 =	sadd.s32 s20, s10;
	[sflag:s13] =	ssyncadd.s32 $0xFFFFFFB0  }
0x4f: {  	[tilespmem:s15], [sflag:$0x2] =	stream.linear.gather [hbm4b:s31+s4], $0x50, $0x38;
	[tilespmem:$0x16120] =	vst v63  }
0x50: {  	_ =	swait.ge [sflag:s13], $0x50  }
0x51: {  	[sflag:s13] =	ssyncset.done $0x0  }
0x52: {  	[sflag:s13] =	ssyncadd.s32 $0xFFFFFFB0  }
0x53: {  	[tilespmem:s12], [sflag:$0x1] =	stream.indirect.gather [hbm4b:s0+s16], $0x80, s14, s16, $0xb8;
	[tilespmem:$0x16120] =	vst v63  }
0x54: {  	_ =	swait.ge [sflag:s17], $0x2800  }
0x55: {  	[sflag:s17] =	ssyncset.done $0x0  }
0x56: {  	[sflag:s17] =	ssyncadd.s32 $0xFFFFD800  }
0x57: {  	[spmem:s3] =	stream.indirect.scatter.add.f32 [tilespmem:s12], [sflag:$0x2], $0x80, s15, s16, $0xb8;
	[tilespmem:$0x16120] =	vst v63  }
0x58: {  	_ =	swait.ge [sflag:s13], $0x2800  }
0x59: {  	[sflag:s13] =	ssyncset.done $0x0  }
0x5a: {  	[sflag:s13] =	ssyncadd.s32 $0xFFFFD800  }
0x5b: {  	s20 =	simm.s32 @p0 $0x1FC2;
	[bflag:$0x0] =	sbarrier.arrive $0xFFFF  }
0x5c: {  	[hbm:s8], [sflag:s20] =	dma.local @p0 [spmem:s18], $0x1900  }
0x5d: {  	s20 =	simm.s32 @p0 $0x2  }
0x5e: {  	s19 =	sadd.s32 $0x1, s19;
	_ =	swait.ge @p0 [sflag:s20], $0x1900  }
0x5f: {  	s21 =	sshll.u32 @!p0 s2, $0x6;
	p1 =	sne.s32 s19, s9;
	[sflag:s20] =	ssyncset.done @p0 $0x0  }
0x60: {  	[sflag:s20] =	ssyncadd.s32 @p0 $0xFFFFE700;
	s20 =	sor.u32 @!p0 $0x1C02, s21;
	s21 =	sshrl.u32 @!p0 s7, $0x3  }
0x61: {  	[hbm:s6], [sflag:s20] =	dma.local @!p0 [spmem:s21], $0x2800  }
.Ltmp4:
0x62: {  	_ = 	snop;
	(pc) =	sbr.rel @p1 .LBB2_1-.Ltmp4, $4  }
0x63: {  	s20 =	simm.s32 @!p0 $0x2  }
0x64: {  	_ =	swait.ge @!p0 [sflag:s20], $0x2800  }
0x65: {  	[sflag:s20] =	ssyncset.done @!p0 $0x0  }
0x66: {  	[sflag:s20] =	ssyncadd.s32 @!p0 $0xFFFFD800  }
0x67: {  	_ =	sfence.sel $0x180000  }
0x68: {  	[bflag:$0x0] =	sbarrier.arrive $0xFFFF  }
0x69: {  	p0 =	sne.s32 s2, $0x0;
	_ =	strace $0x9000004D  }
0x6a: {  	s0 =	sadd.s32 @!p0 $0x100000, s1;
	[bflag:$0x2] =	sbarrier.arrive $0xFFFF  }
0x6b: {  	[sflag:s0] =	ssyncadd.tile.s32 @!p0 $0x1;
	_ =	shalt  }
.Lfunc_end2:
_tile_overlayer_lowered:
.L_overlay_start_2:
0x6c: {  	(tag) =	ssettag $0x2  }
0x6d: {  	s0 =	rddreg [dreg:$0x0];
	s2 =	stileid.u32  }
0x6e: {  	s1 =	rddreg [dreg:$0x1];
	p0 =	sne.s32 s2, $0x0  }
0x6f: {  	s3 =	rddreg [dreg:$0x2];
	[bflag:$0x3] =	sbarrier.arrive $0xFFFF;
	s2 =	simm.s32 @!p0 $0x1C02  }
0x70: {  	[timem:s3], [sflag:s2] =	dma.local @!p0 [hbm:s0], s1  }
0x71: {  	s0 =	simm.s32 @!p0 $0x2  }
0x72: {  	_ =	swait.ge @!p0 [sflag:s0], s1  }
0x73: {  	s1 =	ssub.s32 @!p0 $0x0, s1;
	[sflag:s0] =	ssyncset.done @!p0 $0x0  }
0x74: {  	[sflag:s0] =	ssyncadd.s32 @!p0 s1  }
0x75: {  	[bflag:$0x3] =	sbarrier.arrive $0xFFFF  }
0x76: {  	_ =	shalt  }

// kernel: kernel.8.cloned.1.call-start
scs
__scs_entry_jumppad:
0x0: {  	(pc) =	sbr.rel $0x88, $3  }
0x1: {  	(tag) =	ssettag $0x0;
	lr =	simm.s32 $0x1  }
0x2: {  	[smem:$0x3F9C] =	sst lr;
	_ =	strace $0xD0000000  }
0x3: {  	_ = 	snop  }
0x4: {  	_ = 	snop  }
0x5: {  	_ = 	snop  }
0x6: {  	_ = 	snop  }
0x7: {  	_ = 	snop  }
__scs_overlays_trampoline_lowered:
0x8: {  	[smem:$0x3FAB] =	sst s0  }
0x9: {  	[smem:$0x3FAC] =	sst s1  }
0xa: {  	[smem:$0x3FAD] =	sst s2  }
0xb: {  	[smem:$0x3FAE] =	sst s3  }
0xc: {  	[smem:$0x3FAF] =	sst s4  }
0xd: {  	[smem:$0x3FB0] =	sst s5  }
0xe: {  	[smem:$0x3FB1] =	sst s6  }
0xf: {  	[smem:$0x3FB2] =	sst s7  }
0x10: {  	[smem:$0x3FB3] =	sst s8  }
0x11: {  	[smem:$0x3FB4] =	sst s9;
	s0 =	simm.s32 @!p0 $0x0  }
0x12: {  	s1 =	sld [smem:$0x3F9A];
	s0 =	simm.s32 @p0 $0x1  }
0x13: {  	[smem:$0x3FB5] =	sst s0;
	s0 =	simm.s32 @!p1 $0x0  }
0x14: {  	s2 =	sld [smem:$0x3F99];
	s0 =	simm.s32 @p1 $0x1  }
0x15: {  	[smem:$0x3FB6] =	sst s0;
	s0 =	simm.s32 @!p2 $0x0  }
0x16: {  	s3 =	sld [smem:$0x3FDB];
	s0 =	simm.s32 @p2 $0x1  }
0x17: {  	s4 =	simm.s32 $0x1BF5;
	[smem:$0x3FB8] =	sst s0  }
0x18: {  	s0 =	sld [smem:$0x3F9B];
	_ =	swait.ge [sflag:s4], $0x0  }
0x19: {  	s7 =	sld [smem:$0x3F9C]  }
0x1a: {  	s8 =	sadd.s32 $0xFFFFE003, lr  }
0x1b: {  	s9 =	sadd.s32 $0xFFFFFEF7, lr;
	s5 =	simm.s32 $0xFFFFFFFF;
	p2 =	slt.u32 s8, $0xFFFFF086  }
0x1c: {  	p1 =	slt.u32 s9, $0xF7A;
	s5 =	simm.s32 @!p2 $0x0  }
0x1d: {  	s5 =	simm.s32 @p1 $0x1;
	p0 =	seq.s32 s7, s2  }
0x1e: {  	s7 =	smul.u32 @!p0 $0xF7A, s2;
	p2 =	seq.s32 @!p0 s5, $0x0  }
0x1f: {  	s9 =	smul.u32 $0xF7A, s1;
	s8 =	simm.s32 @!p0 $0x1BF5;
	p2 =	por !p2, p0  }
0x20: {  	[sflag:s8] =	ssyncset.s32 @!p0 $0xFFFFF086;
	s6 =	sadd.s32 @!p0 s3, s7;
	s7 =	simm.s32 @!p0 $0x108  }
0x21: {  	s3 =	sadd.s32 s3, s9;
	s6 =	sadd.s32 @!p0 $0x88, s6;
	s7 =	simm.s32 @p2 $0x1082  }
0x22: {  	[simem:s7], [sflag:s8] =	dma.local @!p0 [hbm:s6], $0xF7A  }
0x23: {  	s9 =	sor.u32 $0xD0000000, s2;
	s6 =	simm.s32 $0x108;
	_ =	swait.ge @!p0 [sflag:s8], $0x0  }
0x24: {  	s3 =	sadd.s32 $0x88, s3;
	s6 =	simm.s32 @!p1 $0x1082;
	[sflag:s4] =	ssyncset.s32 $0xFFFFF086  }
0x25: {  	[simem:s6], [sflag:s4] =	dma.local [hbm:s3], $0xF7A  }
0x26: {  	[smem:$0x3F9C] =	sst s1;
	(tag) =	ssettag s2;
	_ =	strace s9  }
0x27: {  	s1 =	sld [smem:$0x3FAC]  }
0x28: {  	s2 =	sld [smem:$0x3FAD]  }
0x29: {  	s4 =	sld [smem:$0x3FAF]  }
0x2a: {  	p0 =	seq.s32 s5, $0x0;
	s5 =	sld [smem:$0x3FB0]  }
0x2b: {  	s6 =	sld [smem:$0x3FB1]  }
0x2c: {  	s7 =	sld [smem:$0x3FB2]  }
0x2d: {  	s3 =	simm.s32 $0x108;
	s8 =	sld [smem:$0x3FB3]  }
0x2e: {  	s3 =	simm.s32 @!p0 $0x1082;
	s9 =	sld [smem:$0x3FB4]  }
0x2f: {  	lr =	sadd.s32 s0, s3;
	s0 =	sld [smem:$0x3FAB]  }
0x30: {  	s3 =	sld [smem:$0x3FAE]  }
0x31: {  	[smem:$0x3FB7] =	sst s10  }
0x32: {  	s10 =	sld [smem:$0x3FB5];
	_ =	sdelay $0x3  }
0x33: {  	p0 =	seq.s32 s10, $0x1;
	s10 =	sld [smem:$0x3FB7];
	_ =	sdelay $0x3  }
0x34: {  	[smem:$0x3FB7] =	sst s10  }
0x35: {  	s10 =	sld [smem:$0x3FB6];
	_ =	sdelay $0x3  }
0x36: {  	p1 =	seq.s32 s10, $0x1;
	s10 =	sld [smem:$0x3FB7];
	_ =	sdelay $0x3  }
0x37: {  	[smem:$0x3FB7] =	sst s10  }
0x38: {  	s10 =	sld [smem:$0x3FB8]  }
0x39: {  	_ = 	snop;
	(pc) =	sbr.ind lr, $3  }
0x3a: {  	_ = 	snop  }
0x3b: {  	_ = 	snop  }
0x3c: {  	p2 =	seq.s32 s10, $0x1;
	s10 =	sld [smem:$0x3FB7]  }
0x3d: {  	_ =	shalt  }
0x3e: {  	_ =	shalt  }
0x3f: {  	_ =	shalt  }
0x40: {  	_ =	shalt  }
0x41: {  	_ =	shalt  }
0x42: {  	_ =	shalt  }
0x43: {  	_ =	shalt  }
0x44: {  	_ =	shalt  }
0x45: {  	_ =	shalt  }
0x46: {  	_ =	shalt  }
0x47: {  	_ =	shalt  }
0x48: {  	_ =	shalt  }
0x49: {  	_ =	shalt  }
0x4a: {  	_ =	shalt  }
0x4b: {  	_ =	shalt  }
0x4c: {  	_ =	shalt  }
0x4d: {  	_ =	shalt  }
0x4e: {  	_ =	shalt  }
0x4f: {  	_ =	shalt  }
0x50: {  	_ =	shalt  }
0x51: {  	_ =	shalt  }
0x52: {  	_ =	shalt  }
0x53: {  	_ =	shalt  }
0x54: {  	_ =	shalt  }
0x55: {  	_ =	shalt  }
0x56: {  	_ =	shalt  }
0x57: {  	_ =	shalt  }
0x58: {  	_ =	shalt  }
0x59: {  	_ =	shalt  }
0x5a: {  	_ =	shalt  }
0x5b: {  	_ =	shalt  }
0x5c: {  	_ =	shalt  }
0x5d: {  	_ =	shalt  }
0x5e: {  	_ =	shalt  }
0x5f: {  	_ =	shalt  }
0x60: {  	_ =	shalt  }
0x61: {  	_ =	shalt  }
0x62: {  	_ =	shalt  }
0x63: {  	_ =	shalt  }
0x64: {  	_ =	shalt  }
0x65: {  	_ =	shalt  }
0x66: {  	_ =	shalt  }
0x67: {  	_ =	shalt  }
0x68: {  	_ =	shalt  }
0x69: {  	_ =	shalt  }
0x6a: {  	_ =	shalt  }
0x6b: {  	_ =	shalt  }
0x6c: {  	_ =	shalt  }
0x6d: {  	_ =	shalt  }
0x6e: {  	_ =	shalt  }
0x6f: {  	_ =	shalt  }
0x70: {  	_ =	shalt  }
0x71: {  	_ =	shalt  }
0x72: {  	_ =	shalt  }
0x73: {  	_ =	shalt  }
0x74: {  	_ =	shalt  }
0x75: {  	_ =	shalt  }
0x76: {  	_ =	shalt  }
0x77: {  	_ =	shalt  }
0x78: {  	_ =	shalt  }
0x79: {  	_ =	shalt  }
0x7a: {  	_ =	shalt  }
0x7b: {  	_ =	shalt  }
0x7c: {  	_ =	shalt  }
0x7d: {  	_ =	shalt  }
0x7e: {  	_ =	shalt  }
0x7f: {  	_ =	shalt  }
0x80: {  	_ =	shalt  }
0x81: {  	_ =	shalt  }
0x82: {  	_ =	shalt  }
0x83: {  	_ =	shalt  }
0x84: {  	_ =	shalt  }
0x85: {  	_ =	shalt  }
0x86: {  	_ =	shalt  }
0x87: {  	_ =	shalt  }
.Lfunc_end0:
.L_simem_size_0:
called_computation_lowered:
.L_overlay_start_0:
0x88: {  	s2 =	sld [smem:$0x3FD9]  }
0x89: {  	s3 =	sld [smem:$0x3FFE];
	_ =	sdelay $0x1  }
0x8a: {  	s1 =	srdreg.scid  }
0x8b: {  	s0 =	sand.u32 $0x1, s1  }
0x8c: {  	s17 =	sshll.u32 s0, $0xA;
	s2 =	sadd.s32 s3, s2  }
0x8d: {  	s2 =	sadd.s32 s2, s17  }
0x8e: {  	[smem:$0x3FC3] =	sst s2  }
0x8f: {  	_ = 	snop  }
0x90: {  	s2 =	sld [smem:$0x3FC8]  }
0x91: {  	s18 =	sld [smem:$0x3FD0];
	(tm) =	ssettm $0x1  }
0x92: {  	s4 =	sld [smem:$0x3FFB];
	_ =	sdelay $0x3  }
0x93: {  	_ =	strace s4  }
0x94: {  	s4 =	sld [smem:$0x3FFC];
	_ =	sdelay $0x3  }
0x95: {  	_ =	strace s4  }
0x96: {  	s4 =	sld [smem:$0x3FFD];
	_ =	sdelay $0x3  }
0x97: {  	_ =	strace s4  }
0x98: {  	_ =	strace $0x8FFFFFFF  }
0x99: {  	s19 =	sld [smem:$0x3FDB];
	_ =	sdelay $0x1  }
0x9a: {  	s5 =	simm.s32 $_scs_section_size  }
0x9b: {  	s6 =	simm.s32 $_size__tile_overlayer_lowered;
	s7 =	simm.s32 $_tile_overlayer_lowered  }
0x9c: {  	s22 =	simm.s32 $0x1BFF;
	s21 =	sshll.u32 s7, $0x1;
	s4 =	sadd.s32 s5, s19  }
0x9d: {  	s8 =	simm.s32 $0x0;
	s20 =	sshll.u32 s6, $0x1;
	s6 =	sadd.s32 s21, s4  }
0x9e: {  	[timem:s8], [sflag:s22] =	dma.local [hbm:s6], s20  }
0x9f: {  	_ =	swait.ge [sflag:s22], s20  }
0xa0: {  	s5 =	ssub.s32 $0x0, s20;
	[sflag:s22] =	ssyncset.done $0x0  }
0xa1: {  	[sflag:s22] =	ssyncadd.s32 s5;
	_ =	sdelay $0x1  }
0xa2: {  	s23 =	simm.s32 $0x1B8B  }
0xa3: {  	_ =	swait.ge [sflag:s23], $0x1  }
0xa4: {  	[sflag:s23] =	ssyncset.done $0x0  }
0xa5: {  	s25 =	simm.s32 $0x1B8E;
	s24 =	sld [smem:$0x3FFE];
	[sflag:s23] =	ssyncadd.s32 $0xFFFFFFFF  }
0xa6: {  	s26 =	simm.s32 $execute0_lowered;
	[smem:$0x3FD2] =	sst s25  }
0xa7: {  	s6 =	sshll.u32 s26, $0x1;
	_ =	strace $0x80000046;
	[dreg:$0x1] =	wrdreg $0xFFFFFFFF  }
0xa8: {  	s28 =	simm.s32 $_size_execute0_lowered;
	s4 =	sadd.s32 s4, s6;
	[dreg:$0x0] =	wrdreg $0x0  }
0xa9: {  	s6 =	sshll.u32 s28, $0x1;
	[dreg:$0x2] =	wrdreg s4  }
0xaa: {  	[dreg:$0x3] =	wrdreg s6  }
0xab: {  	[dreg:$0x4] =	wrdreg $0xC0  }
0xac: {  	_ =	task [dreg:s8], $0x5FFFF  }
0xad: {  	[dreg:$0x1] =	wrdreg $0xFFFFFFFF  }
0xae: {  	[dreg:$0x0] =	wrdreg $0x60  }
0xaf: {  	[dreg:$0x2] =	wrdreg s2  }
0xb0: {  	[dreg:$0x3] =	wrdreg s24  }
0xb1: {  	[dreg:$0x4] =	wrdreg s18  }
0xb2: {  	[dreg:$0x5] =	wrdreg $0x0  }
0xb3: {  	[dreg:$0x6] =	wrdreg $0x161200  }
0xb4: {  	[dreg:$0x7] =	wrdreg $0x9  }
0xb5: {  	_ =	task.clear_ibuf [dreg:s8], $0x8FFFF;
	_ =	strace $0x90000046  }
0xb6: {  	s29 =	simm.s32 $0x9;
	_ =	strace $0x80000048  }
0xb7: {  	_ =	swait.ge [sflag:s29], $0x1  }
0xb8: {  	[sflag:s29] =	ssyncadd.s32 $0xFFFFFFFF  }
0xb9: {  	_ =	strace $0x90000048  }
0xba: {  	_ =	sfence  }
0xbb: {  	s30 =	sld [smem:$0x0];
	_ =	sdelay $0x2  }
0xbc: {  	s31 =	sshll.u32 s1, $0xD;
	s1 =	sshrl.u32 s1, $0x2  }
0xbd: {  	s3 =	sand.u32 $0x4000, s31;
	s1 =	sadd.s32 s1, s30  }
0xbe: {  	s0 =	sor.u32 s3, s0;
	s1 =	sshll.u32 s1, $0x11  }
0xbf: {  	s0 =	sor.u32 s1, s0  }
0xc0: {  	s0 =	sadd.s32 $0x8F2B, s0  }
0xc1: {  	[sflag:s0] =	ssyncadd.remote.s32 $0x1  }
0xc2: {  	_ =	sfence.sel $0xFFFF  }
0xc3: {  	[dreg:$0x0] =	wrdreg $0xFFFFFFFF;
	(pc) =	sbr.abs _section_cstart, $3  }
0xc4: {  	[dreg:$0x1] =	wrdreg $0xFFFFFFFF  }
0xc5: {  	_ =	task.clear_ibuf [dreg:s8], $0x2FFFF;
	_ =	strace $0x9FFFFFFF  }
0xc6: {  	(tm) =	ssettm $0x7FFFFFFF  }
0xc7: {  	_ =	shalt  }
tec
execute0_lowered:
.L_overlay_start_1:
0x0: {  	(tag) =	ssettag $0x1  }
0x1: {  	s0 =	rddreg [dreg:$0x0]  }
0x2: {  	s6 =	rddreg [dreg:$0x1]  }
0x3: {  	s12 =	rddreg [dreg:$0x2]  }
0x4: {  	s1 =	srdreg.scid;
	s3 =	rddreg [dreg:$0x3]  }
0x5: {  	s4 =	rddreg [dreg:$0x4];
	s9 =	sand.u32 $0x1, s1  }
0x6: {  	s1 =	stileid.u32;
	s11 =	smul.u32 $0x27100, s9  }
0x7: {  	s2 =	rddreg [dreg:$0x5];
	s5 =	simm.s32 $0x0;
	s7 =	smul.u32 $0x2710, s1  }
0x8: {  	s20 =	simm.s32 $0x160D0;
	s21 =	simm.s32 $0x50;
	s8 =	smul.u32 $0x9E00, s1  }
0x9: {  	s22 =	simm.s32 $0x1;
	s23 =	simm.s32 $0x18830;
	s10 =	smul.u32 $0x280, s1  }
0xa: {  	[smem:$0x7FF] =	sst s5;
	s13 =	sadd.s32 $0x17000, s6;
	s15 =	smul.u32 $0x2710, s9  }
0xb: {  	s24 =	sadd.s32 $0x12C000, s3;
	_ =	strace $0x80000047;
	s17 =	smul.u32 $0x50000, s1  }
0xc: {  	s25 =	ssub.s32 $0x2, s9;
	p0 =	seq.s32 s1, $0xF;
	s18 =	smul.u32 $0x278, s1  }
0xd: {  	s19 =	smul.u32 $0x138800, s9;
	s26 =	sshrl.u32 s25, $0x1;
	s24 =	sshrl.u32 @p0 s24, $0x3  }
0xe: {  	s7 =	sadd.s32 s7, s11;
	s14 =	ssub.s32 s25, s26;
	s28 =	sshrl.u32 s8, $0x2  }
0xf: {  	s8 =	sadd.s32 $0x25080, s4;
	s10 =	sadd.s32 s10, s15;
	s17 =	sshrl.u32 s17, $0x2  }
0x10: {  	s15 =	sadd.s32 s18, s15;
	s29 =	sshrl.u32 s19, $0x3;
	s30 =	sshrl.u32 s11, $0x3  }
0x11: {  	s18 =	simm.s32 $0x2;
	s19 =	simm.s32 $0x16080;
	s25 =	simm.s32 $0x0  }
0x12: {  	s7 =	sshrl.u32 s7, $0x3;
	s10 =	sshll.u32 s10, $0x4;
	s15 =	sshll.u32 s15, $0x1  }
0x13: {  	s31 =	sadd.s32 s12, s30;
	s14 =	smax.u32 s14, $0x1;
	s16 =	sadd.s32 s7, s6  }
0x14: {  	s6 =	simm.s32 $0x5;
	s7 =	sadd.s32 s28, s4;
	s9 =	sadd.s32 s13, s10  }
0x15: {  	s10 =	sadd.s32 s17, s3;
	s11 =	sadd.s32 s12, s15;
	s13 =	sadd.s32 s13, s29  }
0x16: {  	s17 =	simm.s32 $0x13880;
	s6 =	simm.s32 @!p0 $0x8;
	s12 =	sadd.s32 $0x25800, s13  }
0x17: {  	v0 =	vimm.f32 $0.0e+00;
	v1 =	vimm.f32 $1.000000000e+00;
	s13 =	sadd.s32 $0x4A10, s31;
	s15 =	sadd.s32 $0x3400, s16;
	s16 =	sadd.s32 $0xD200, s16  }
.LBB2_1:
0x18: {  	s26 =	sand.u32 $0xFE00, s5  }
0x19: {  	s28 =	sand.u32 $0x70, s5;
	s29 =	sshrl.u32 s26, $0x2  }
0x1a: {  	s26 =	simm.s32 $0x40;
	s29 =	sor.u32 s28, s29;
	s28 =	simm.s32 $0x0  }
.LBB2_2:
0x1b: {  	p1 =	sne.s32 s26, $0x9FC0  }
0x1c: {  	[tilespmem:s29+$0x13880] =	vst v0;
	s28 =	sadd.s32 $0x10, s28;
	s29 =	smov.u32 s26;
	s26 =	sadd.s32 $0x40, s26  }
.Ltmp0:
0x1d: {  	(pc) =	sbr.rel @p1 .LBB2_2-.Ltmp0, $4  }
0x1e: {  	_ = 	snop  }
0x1f: {  	s29 =	sand.u32 $0xFE00, s29  }
0x20: {  	s30 =	sand.u32 $0x70, s28;
	s29 =	sshrl.u32 s29, $0x2  }
0x21: {  	s29 =	sor.u32 s30, s29  }
0x22: {  	p1 =	sne.s32 s6, $0x1  }
.Ltmp1:
0x23: {  	_ = 	snop;
	(pc) =	sbr.rel @!p1 .LBB2_5-.Ltmp1, $4  }
0x24: {  	[tilespmem:s29+$0x13880] =	vst v0  }
0x25: {  	[spmem:s10] =	stream.linear.scatter [tilespmem:s17], [sflag:$0x2], $0x2800, $0x38;
	[tilespmem:$0x1B4B0] =	vst v63  }
0x26: {  	s28 =	sadd.s32 $0xFFFFFFFF, s6;
	_ =	swait.ge [sflag:s18], $0x2800  }
0x27: {  	s26 =	simm.s32 $0x0;
	s29 =	smov.u32 s10;
	[sflag:s18] =	ssyncset.done $0x0  }
.LBB2_4:
0x28: {  	p1 =	sne.s32 s28, $0x1;
	[sflag:s18] =	ssyncadd.s32 $0xFFFFD800;
	s29 =	sadd.s32 $0x2800, s29  }
.Ltmp2:
0x29: {  	s28 =	sadd.s32 $0xFFFFFFFF, s28;
	(pc) =	sbr.rel @p1 .LBB2_4-.Ltmp2, $4  }
0x2a: {  	_ = 	snop  }
0x2b: {  	[spmem:s29] =	stream.linear.scatter [tilespmem:s17], [sflag:$0x2], $0x2800, $0x38;
	[tilespmem:$0x1B4B0] =	vst v63  }
0x2c: {  	_ =	swait.ge [sflag:s18], $0x2800  }
0x2d: {  	[sflag:s18] =	ssyncset.done $0x0  }
.LBB2_5:
0x2e: {  	p1 =	sne.s32 s26, $0x13C0  }
.Ltmp3:
0x2f: {  	_ = 	snop;
	(pc) =	sbr.rel @!p1 .LBB2_7-.Ltmp3, $3  }
0x30: {  	_ =	sdelay $0x1  }
0x31: {  	s28 =	sshra.s32 s26, $0x2  }
0x32: {  	[sflag:s18] =	ssyncadd.s32 $0xFFFFD800;
	s29 =	sadd.s32 $0x40, s26;
	s30 =	smov.u32 s28  }
.LBB2_6:
0x33: {  	p1 =	sne.s32 s29, $0x13C0;
	[tilespmem:s30+$0x18830] =	vst v1;
	s30 =	smov.u32 s29;
	s29 =	sadd.s32 $0x40, s29  }
.Ltmp4:
0x34: {  	(pc) =	sbr.rel @p1 .LBB2_6-.Ltmp4, $2  }
0x35: {  	_ =	sdelay $0x2  }
0x36: {  	s30 =	sshra.s32 s30, $0x2  }
.LBB2_7:
0x37: {  	p1 =	sne.s32 s26, $0x9DC0  }
.Ltmp5:
0x38: {  	_ = 	snop;
	(pc) =	sbr.rel @!p1 .LBB2_9-.Ltmp5, $2  }
0x39: {  	_ =	sdelay $0x2  }
0x3a: {  	[tilespmem:s30+$0x18830] =	vst v1;
	s26 =	sadd.s32 $0x40, s26  }
.LBB2_8:
0x3b: {  	p1 =	sne.s32 s26, $0x9DC0;
	[tilespmem:s28+$0x18D30] =	vst v0;
	s28 =	smov.u32 s26;
	s26 =	sadd.s32 $0x40, s26  }
.Ltmp6:
0x3c: {  	(pc) =	sbr.rel @p1 .LBB2_8-.Ltmp6, $2  }
0x3d: {  	_ =	sdelay $0x2  }
0x3e: {  	s28 =	sshra.s32 s28, $0x2  }
.LBB2_9:
0x3f: {  	[tilespmem:s28+$0x18D30] =	vst v0;
	s26 =	simm.s32 @p0 $0x18D30  }
0x40: {  	[spmem:s8] =	stream.linear.scatter @p0 [tilespmem:s26], [sflag:$0x2], $0x2080, $0x38;
	[tilespmem:$0x1B4B0] =	vst v63  }
0x41: {  	s26 =	simm.s32 @p0 $0x2  }
0x42: {  	_ =	swait.ge @p0 [sflag:s26], $0x2080  }
0x43: {  	[sflag:s26] =	ssyncset.done @p0 $0x0  }
0x44: {  	[sflag:s26] =	ssyncadd.s32 @p0 $0xFFFFDF80;
	s26 =	simm.s32 @!p0 $0x18D30  }
0x45: {  	[spmem:s7] =	stream.linear.scatter @!p0 [tilespmem:s26], [sflag:$0x2], $0x2780, $0x38;
	[tilespmem:$0x1B4B0] =	vst v63  }
0x46: {  	s26 =	simm.s32 @!p0 $0x2  }
0x47: {  	_ =	swait.ge @!p0 [sflag:s26], $0x2780  }
0x48: {  	[sflag:s26] =	ssyncset.done @!p0 $0x0  }
0x49: {  	[sflag:s26] =	ssyncadd.s32 @!p0 $0xFFFFD880  }
0x4a: {  	s30 =	sadd.s32 $0x0, s16;
	[bflag:$0x0] =	sbarrier.arrive $0xFFFF  }
0x4b: {  	[tilespmem:s19], [sflag:$0x2] =	stream.linear.gather [hbm4b:s30+s5], $0x50, $0x38;
	[tilespmem:$0x1B4B0] =	vst v63  }
0x4c: {  	_ =	swait.ge [sflag:s18], $0x50  }
0x4d: {  	[sflag:s18] =	ssyncset.done $0x0  }
0x4e: {  	s31 =	sadd.s32 $0x0, s15;
	[sflag:s18] =	ssyncadd.s32 $0xFFFFFFB0  }
0x4f: {  	[tilespmem:s20], [sflag:$0x2] =	stream.linear.gather [hbm4b:s31+s5], $0x50, $0x38;
	[tilespmem:$0x1B4B0] =	vst v63  }
0x50: {  	_ =	swait.ge [sflag:s18], $0x50  }
0x51: {  	[sflag:s18] =	ssyncset.done $0x0  }
0x52: {  	[sflag:s18] =	ssyncadd.s32 $0xFFFFFFB0  }
0x53: {  	[tilespmem:s17], [sflag:$0x1] =	stream.indirect.gather [hbm4b:s0+s21], $0x80, s19, s21, $0xb8;
	[tilespmem:$0x1B4B0] =	vst v63  }
0x54: {  	_ =	swait.ge [sflag:s22], $0x2800  }
0x55: {  	[sflag:s22] =	ssyncset.done $0x0  }
0x56: {  	[sflag:s22] =	ssyncadd.s32 $0xFFFFD800  }
0x57: {  	[spmem:s3] =	stream.indirect.scatter.add.f32 [tilespmem:s17], [sflag:$0x2], $0x80, s20, s21, $0xb8;
	[tilespmem:$0x1B4B0] =	vst v63  }
0x58: {  	_ =	swait.ge [sflag:s18], $0x2800  }
0x59: {  	[sflag:s18] =	ssyncset.done $0x0  }
0x5a: {  	[sflag:s18] =	ssyncadd.s32 $0xFFFFD800  }
0x5b: {  	[spmem:s4] =	stream.indirect.scatter.add.f32 [tilespmem:s23], [sflag:$0x2], $0x10, s20, s21, $0xb8;
	[tilespmem:$0x1B4B0] =	vst v63  }
0x5c: {  	_ =	swait.ge [sflag:s18], $0x500  }
0x5d: {  	s28 =	simm.s32 $0x14;
	s26 =	simm.s32 $0xA;
	[sflag:s18] =	ssyncset.done $0x0  }
.LBB2_10:
0x5e: {  	s29 =	sadd.s32 s26, s16  }
0x5f: {  	[sflag:s18] =	ssyncadd.s32 $0xFFFFFB00;
	s30 =	smov.u32 s28;
	s31 =	sadd.s32 $0xA, s28  }
0x60: {  	[tilespmem:s19], [sflag:$0x2] =	stream.linear.gather [hbm4b:s29+s5], $0x50, $0x38;
	[tilespmem:$0x1B4B0] =	vst v63  }
0x61: {  	p1 =	sne.s32 s28, $0x4D8;
	_ =	swait.ge [sflag:s18], $0x50  }
0x62: {  	[sflag:s18] =	ssyncset.done $0x0  }
0x63: {  	s28 =	sadd.s32 s26, s15;
	s26 =	smov.u32 s30;
	[sflag:s18] =	ssyncadd.s32 $0xFFFFFFB0  }
0x64: {  	[tilespmem:s20], [sflag:$0x2] =	stream.linear.gather [hbm4b:s28+s5], $0x50, $0x38;
	[tilespmem:$0x1B4B0] =	vst v63  }
0x65: {  	_ =	swait.ge [sflag:s18], $0x50  }
0x66: {  	[sflag:s18] =	ssyncset.done $0x0  }
0x67: {  	[sflag:s18] =	ssyncadd.s32 $0xFFFFFFB0  }
0x68: {  	[tilespmem:s17], [sflag:$0x1] =	stream.indirect.gather [hbm4b:s0+s21], $0x80, s19, s21, $0xb8;
	[tilespmem:$0x1B4B0] =	vst v63  }
0x69: {  	_ =	swait.ge [sflag:s22], $0x2800  }
0x6a: {  	[sflag:s22] =	ssyncset.done $0x0  }
0x6b: {  	[sflag:s22] =	ssyncadd.s32 $0xFFFFD800  }
0x6c: {  	[spmem:s3] =	stream.indirect.scatter.add.f32 [tilespmem:s17], [sflag:$0x2], $0x80, s20, s21, $0xb8;
	[tilespmem:$0x1B4B0] =	vst v63  }
0x6d: {  	_ =	swait.ge [sflag:s18], $0x2800  }
.Ltmp7:
0x6e: {  	[sflag:s18] =	ssyncset.done $0x0;
	(pc) =	sbr.rel @p1 .LBB2_10-.Ltmp7, $4  }
0x6f: {  	[sflag:s18] =	ssyncadd.s32 $0xFFFFD800  }
0x70: {  	[spmem:s4] =	stream.indirect.scatter.add.f32 [tilespmem:s23], [sflag:$0x2], $0x10, s20, s21, $0xb8;
	[tilespmem:$0x1B4B0] =	vst v63  }
0x71: {  	_ =	swait.ge [sflag:s18], $0x500  }
0x72: {  	s28 =	smov.u32 s31;
	[sflag:s18] =	ssyncset.done $0x0  }
0x73: {  	s28 =	sadd.s32 s26, s16;
	[sflag:s18] =	ssyncadd.s32 $0xFFFFFB00  }
0x74: {  	[tilespmem:s19], [sflag:$0x2] =	stream.linear.gather [hbm4b:s28+s5], $0x50, $0x38;
	[tilespmem:$0x1B4B0] =	vst v63  }
0x75: {  	_ =	swait.ge [sflag:s18], $0x50  }
0x76: {  	[sflag:s18] =	ssyncset.done $0x0  }
0x77: {  	s31 =	sadd.s32 s26, s15;
	[sflag:s18] =	ssyncadd.s32 $0xFFFFFFB0  }
0x78: {  	[tilespmem:s20], [sflag:$0x2] =	stream.linear.gather [hbm4b:s31+s5], $0x50, $0x38;
	[tilespmem:$0x1B4B0] =	vst v63  }
0x79: {  	_ =	swait.ge [sflag:s18], $0x50  }
0x7a: {  	[sflag:s18] =	ssyncset.done $0x0  }
0x7b: {  	[sflag:s18] =	ssyncadd.s32 $0xFFFFFFB0  }
0x7c: {  	[tilespmem:s17], [sflag:$0x1] =	stream.indirect.gather [hbm4b:s0+s21], $0x80, s19, s21, $0xb8;
	[tilespmem:$0x1B4B0] =	vst v63  }
0x7d: {  	_ =	swait.ge [sflag:s22], $0x2800  }
0x7e: {  	[sflag:s22] =	ssyncset.done $0x0  }
0x7f: {  	[sflag:s22] =	ssyncadd.s32 $0xFFFFD800  }
0x80: {  	[spmem:s3] =	stream.indirect.scatter.add.f32 [tilespmem:s17], [sflag:$0x2], $0x80, s20, s21, $0xb8;
	[tilespmem:$0x1B4B0] =	vst v63  }
0x81: {  	_ =	swait.ge [sflag:s18], $0x2800  }
0x82: {  	[sflag:s18] =	ssyncset.done $0x0  }
0x83: {  	[sflag:s18] =	ssyncadd.s32 $0xFFFFD800  }
0x84: {  	[spmem:s4] =	stream.indirect.scatter.add.f32 [tilespmem:s23], [sflag:$0x2], $0x10, s20, s21, $0xb8;
	[tilespmem:$0x1B4B0] =	vst v63  }
0x85: {  	_ =	swait.ge [sflag:s18], $0x500  }
0x86: {  	[sflag:s18] =	ssyncset.done $0x0  }
0x87: {  	[sflag:s18] =	ssyncadd.s32 $0xFFFFFB00  }
0x88: {  	s26 =	simm.s32 @p0 $0x1FC2;
	s28 =	simm.s32 @p0 $0x2;
	[bflag:$0x0] =	sbarrier.arrive $0xFFFF  }
0x89: {  	[hbm:s12], [sflag:s26] =	dma.local @p0 [spmem:s24], $0x1900  }
0x8a: {  	_ =	swait.ge @p0 [sflag:s28], $0x1900  }
0x8b: {  	[sflag:s28] =	ssyncset.done @p0 $0x0  }
0x8c: {  	s29 =	sshrl.u32 @p0 s8, $0x3;
	[sflag:s28] =	ssyncadd.s32 @p0 $0xFFFFE700  }
0x8d: {  	[hbm:s13], [sflag:s26] =	dma.local @p0 [spmem:s29], $0x410  }
0x8e: {  	_ =	swait.ge @p0 [sflag:s28], $0x410  }
0x8f: {  	s26 =	sshll.u32 @!p0 s1, $0x6;
	[sflag:s28] =	ssyncset.done @p0 $0x0  }
0x90: {  	s26 =	sor.u32 @!p0 $0x1C02, s26;
	[sflag:s28] =	ssyncadd.s32 @p0 $0xFFFFFBF0;
	s28 =	sshrl.u32 @!p0 s10, $0x3  }
0x91: {  	[hbm:s9], [sflag:s26] =	dma.local @!p0 [spmem:s28], $0x2800  }
0x92: {  	s28 =	simm.s32 @!p0 $0x2  }
0x93: {  	s25 =	sadd.s32 $0x1, s25;
	_ =	swait.ge @!p0 [sflag:s28], $0x2800  }
0x94: {  	p1 =	sne.s32 s25, s14;
	[sflag:s28] =	ssyncset.done @!p0 $0x0  }
.Ltmp8:
0x95: {  	s29 =	sshrl.u32 @!p0 s7, $0x3;
	[sflag:s28] =	ssyncadd.s32 @!p0 $0xFFFFD800;
	(pc) =	sbr.rel @p1 .LBB2_1-.Ltmp8, $4  }
0x96: {  	[hbm:s11], [sflag:s26] =	dma.local @!p0 [spmem:s29], $0x4F0  }
0x97: {  	_ =	swait.ge @!p0 [sflag:s28], $0x4F0  }
0x98: {  	[sflag:s28] =	ssyncset.done @!p0 $0x0  }
0x99: {  	[sflag:s28] =	ssyncadd.s32 @!p0 $0xFFFFFB10  }
0x9a: {  	_ =	sfence.sel $0x180000  }
0x9b: {  	[bflag:$0x0] =	sbarrier.arrive $0xFFFF  }
0x9c: {  	p0 =	sne.s32 s1, $0x0;
	_ =	strace $0x90000047  }
0x9d: {  	s0 =	sadd.s32 @!p0 $0x100000, s2;
	[bflag:$0x2] =	sbarrier.arrive $0xFFFF  }
0x9e: {  	[sflag:s0] =	ssyncadd.tile.s32 @!p0 $0x1;
	_ =	shalt  }
.Lfunc_end2:
_tile_overlayer_lowered:
.L_overlay_start_2:
0x9f: {  	(tag) =	ssettag $0x2  }
0xa0: {  	s0 =	rddreg [dreg:$0x0];
	s2 =	stileid.u32  }
0xa1: {  	s1 =	rddreg [dreg:$0x1];
	p0 =	sne.s32 s2, $0x0  }
0xa2: {  	s3 =	rddreg [dreg:$0x2];
	[bflag:$0x3] =	sbarrier.arrive $0xFFFF;
	s2 =	simm.s32 @!p0 $0x1C02  }
0xa3: {  	[timem:s3], [sflag:s2] =	dma.local @!p0 [hbm:s0], s1  }
0xa4: {  	s0 =	simm.s32 @!p0 $0x2  }
0xa5: {  	_ =	swait.ge @!p0 [sflag:s0], s1  }
0xa6: {  	s1 =	ssub.s32 @!p0 $0x0, s1;
	[sflag:s0] =	ssyncset.done @!p0 $0x0  }
0xa7: {  	[sflag:s0] =	ssyncadd.s32 @!p0 s1  }
0xa8: {  	[bflag:$0x3] =	sbarrier.arrive $0xFFFF  }
0xa9: {  	_ =	shalt  }

</sc_bundles>
